<compile_context>
chip_gen: v7x
topology: tpu7x:2x2x1
jax: 0.10.2.dev20260603
libtpu: 0.0.44.dev20260713+nightly
codegen_flags: <defaults>
</compile_context>

<pallas_src>
import functools

import jax
import jax.numpy as jnp
from jax import lax
from jax.experimental import pallas as pl
from jax.experimental.pallas import tpu as pltpu
from jax.experimental.pallas import tpu_sc as plsc

B = 4
D = 128
H = 224
W = 224
NC = 2
NS = 16
NW = NC * NS
H_PER_W = H // NW
LANES = 16
DV = D // LANES


def _pos_embed_sc(row_embed, col_embed):
    mesh = plsc.VectorSubcoreMesh(core_axis_name="c", subcore_axis_name="s")

    @functools.partial(
        pl.kernel,
        out_type=jax.ShapeDtypeStruct((B, H, W, D), jnp.float32),
        mesh=mesh,
        compiler_params=pltpu.CompilerParams(needs_layout_passes=False),
        scratch_types=[
            pltpu.VMEM((W, D), jnp.float32),
            pltpu.VMEM((H, D), jnp.float32),
            pltpu.VMEM((2, W, D), jnp.float32),
            pltpu.SemaphoreType.DMA((2,)),
        ],
    )
    def k(row_hbm, col_hbm, out_hbm, cols_v, rows_v, slab_v, sems):
        wid = lax.axis_index("s") * NC + lax.axis_index("c")
        h0 = wid * H_PER_W

        c1 = pltpu.async_copy(col_hbm.at[pl.ds(0, W)], cols_v, sems.at[0])
        c2 = pltpu.async_copy(row_hbm.at[pl.ds(0, H)], rows_v, sems.at[0])
        c1.wait()
        c2.wait()

        def drain(p):
            for _ in range(B):
                pltpu.make_async_copy(
                    out_hbm.at[0, 0], slab_v.at[0], sems.at[p]
                ).wait()

        def loop_body(hh, carry):
            p = lax.rem(hh, 2)

            @pl.when(hh >= 2)
            def _():
                drain(p)

            rvecs = [rows_v[h0 + hh, pl.ds(i * LANES, LANES)]
                     for i in range(DV)]

            @plsc.parallel_loop(0, W, unroll=4)
            def body(w):
                for i in range(DV):
                    sl = pl.ds(i * LANES, LANES)
                    slab_v[p, w, sl] = cols_v[w, sl] + rvecs[i]

            for b in range(B):
                pltpu.async_copy(
                    slab_v.at[p], out_hbm.at[b, h0 + hh], sems.at[p]
                )
            return carry

        lax.fori_loop(0, H_PER_W, loop_body, 0)
        drain(jnp.int32((H_PER_W - 2) % 2))
        drain(jnp.int32((H_PER_W - 1) % 2))

    return k(row_embed, col_embed)


def kernel(x, row_embed, col_embed):
    del x
    y = _pos_embed_sc(row_embed, col_embed)
    return jnp.transpose(y, (0, 3, 1, 2))

# --- scband reference (transcript-rebuilt; emitter-appended) ---
"""Pipeline reference for scband-position-embedding-learned-79559974191436 (READ-ONLY COPY).

The authoritative reference and input builder live on the scoring server;
editing this copy changes nothing except your own understanding.
"""

import jax, jax.numpy as jnp
import numpy as np

NUM_POS_FEATS = 128


def setup_inputs(seed: int = 0) -> dict:
    key = jax.random.key(seed)
    k1, k2, k3 = jax.random.split(key, 3)
    x = jax.random.normal(k1, (4, 256, 224, 224), dtype=jnp.float32)
    # learned embedding tables, uniform init per reset_parameters()
    row_embed = jax.random.uniform(k2, (1000, NUM_POS_FEATS), dtype=jnp.float32)
    col_embed = jax.random.uniform(k3, (1000, NUM_POS_FEATS), dtype=jnp.float32)
    return {"x": x, "row_embed": row_embed, "col_embed": col_embed}


def reference(x, row_embed, col_embed):
    h, w = x.shape[-2], x.shape[-1]
    i = jnp.arange(w)
    j = jnp.arange(h)
    # embedding lookups (gather)
    x_emb = jnp.take(col_embed, i, axis=0)  # [w, d]
    y_emb = jnp.take(row_embed, j, axis=0)  # [h, d]
    # x_emb.unsqueeze(0).repeat(h,1,1) + y_emb.unsqueeze(1).repeat(1,w,1)
    pos = x_emb[None, :, :] + y_emb[:, None, :]  # [h, w, d]
    # permute(2, 0, 1).unsqueeze(0).repeat(B, 1, 1, 1)
    pos = jnp.transpose(pos, (2, 0, 1))  # [d, h, w]
    pos = jnp.broadcast_to(pos[None, :, :, :], (x.shape[0], pos.shape[0], h, w))
    return pos

if __name__ == "__main__":
    import jax
    _d = setup_inputs()
    print(jax.jit(kernel)(*tuple(_d.values())))

</pallas_src>

<mosaic_0001>
#map = affine_map<(d0, d1) -> (0, 0)>
#map1 = affine_map<(d0, d1) -> (0, 0, 0, 0)>
module attributes {stable_mosaic.version = 14 : i64} {
  func.func @k(%arg0: i32, %arg1: i32, %arg2: memref<1000x128xf32, #tpu.memory_space<hbm>>, %arg3: memref<1000x128xf32, #tpu.memory_space<hbm>>, %arg4: memref<4x224x224x128xf32, #tpu.memory_space<hbm>>, %arg5: memref<224x128xf32, #tpu.memory_space<vmem>>, %arg6: memref<224x128xf32, #tpu.memory_space<vmem>>, %arg7: memref<2x224x128xf32, #tpu.memory_space<vmem>>, %arg8: memref<2x!tpu.dma_semaphore, #tpu.memory_space<semaphore_mem>>) attributes {dimension_semantics = [#tpu.dimension_semantics<core_parallel>, #tpu.dimension_semantics<subcore_parallel>], iteration_bounds = array<i64: 2, 16>, scalar_prefetch = 0 : i64, scratch_operands = 4 : i64, tpu.core_type = #tpu.core_type<sc_vector_subcore>, window_params = [{transform_indices = #map}, {transform_indices = #map}, {transform_indices = #map1}]} {
    %mul3A = arith.constant 2 : i32
    %mul3A_0 = arith.muli %arg1, %mul3A : i32
    %add3A = arith.addi %mul3A_0, %arg0 : i32
    %mul3A_1 = arith.constant 7 : i32
    %mul3A_2 = arith.muli %add3A, %mul3A_1 : i32
    %dma_start3A = arith.constant 0 : i32
    %dma_start3A_3 = arith.constant 0 : i32
    %dma_start3A_4 = arith.constant 0 : i32
    %dma_start3A_5 = tpu.memref_slice %arg3[%dma_start3A_3, %dma_start3A_4] : memref<1000x128xf32, #tpu.memory_space<hbm>> -> memref<224x128xf32, #tpu.memory_space<hbm>>
    %dma_start3A_6 = tpu.memref_slice %arg8[%dma_start3A] : memref<2x!tpu.dma_semaphore, #tpu.memory_space<semaphore_mem>> -> memref<1x!tpu.dma_semaphore, #tpu.memory_space<semaphore_mem>>
    %dma_start3A_7 = tpu.memref_squeeze %dma_start3A_6 : memref<1x!tpu.dma_semaphore, #tpu.memory_space<semaphore_mem>> -> memref<!tpu.dma_semaphore, #tpu.memory_space<semaphore_mem>>
    %dma_start3A_8 = arith.constant 0 : i32
    %dma_start3A_9 = arith.constant 0 : i32
    %dma_start3A_10 = tpu.memref_slice %arg3[%dma_start3A_8, %dma_start3A_9] : memref<1000x128xf32, #tpu.memory_space<hbm>> -> memref<224x128xf32, #tpu.memory_space<hbm>>
    tpu.enqueue_dma source(%dma_start3A_10 : memref<224x128xf32, #tpu.memory_space<hbm>>) target(%arg5 : memref<224x128xf32, #tpu.memory_space<vmem>>) target_semaphore(%dma_start3A_7 : memref<!tpu.dma_semaphore, #tpu.memory_space<semaphore_mem>>)
    %dma_start3A_11 = arith.constant 0 : i32
    %dma_start3A_12 = arith.constant 0 : i32
    %dma_start3A_13 = arith.constant 0 : i32
    %dma_start3A_14 = tpu.memref_slice %arg2[%dma_start3A_12, %dma_start3A_13] : memref<1000x128xf32, #tpu.memory_space<hbm>> -> memref<224x128xf32, #tpu.memory_space<hbm>>
    %dma_start3A_15 = tpu.memref_slice %arg8[%dma_start3A_11] : memref<2x!tpu.dma_semaphore, #tpu.memory_space<semaphore_mem>> -> memref<1x!tpu.dma_semaphore, #tpu.memory_space<semaphore_mem>>
    %dma_start3A_16 = tpu.memref_squeeze %dma_start3A_15 : memref<1x!tpu.dma_semaphore, #tpu.memory_space<semaphore_mem>> -> memref<!tpu.dma_semaphore, #tpu.memory_space<semaphore_mem>>
    %dma_start3A_17 = arith.constant 0 : i32
    %dma_start3A_18 = arith.constant 0 : i32
    %dma_start3A_19 = tpu.memref_slice %arg2[%dma_start3A_17, %dma_start3A_18] : memref<1000x128xf32, #tpu.memory_space<hbm>> -> memref<224x128xf32, #tpu.memory_space<hbm>>
    tpu.enqueue_dma source(%dma_start3A_19 : memref<224x128xf32, #tpu.memory_space<hbm>>) target(%arg6 : memref<224x128xf32, #tpu.memory_space<vmem>>) target_semaphore(%dma_start3A_16 : memref<!tpu.dma_semaphore, #tpu.memory_space<semaphore_mem>>)
    %dma_wait3A = arith.constant 0 : i32
    %dma_wait3A_20 = arith.constant 0 : i32
    %dma_wait3A_21 = arith.constant 0 : i32
    %dma_wait3A_22 = tpu.memref_slice %arg3[%dma_wait3A_20, %dma_wait3A_21] : memref<1000x128xf32, #tpu.memory_space<hbm>> -> memref<224x128xf32, #tpu.memory_space<hbm>>
    %dma_wait3A_23 = tpu.memref_slice %arg8[%dma_wait3A] : memref<2x!tpu.dma_semaphore, #tpu.memory_space<semaphore_mem>> -> memref<1x!tpu.dma_semaphore, #tpu.memory_space<semaphore_mem>>
    %dma_wait3A_24 = tpu.memref_squeeze %dma_wait3A_23 : memref<1x!tpu.dma_semaphore, #tpu.memory_space<semaphore_mem>> -> memref<!tpu.dma_semaphore, #tpu.memory_space<semaphore_mem>>
    %dma_wait3A_25 = arith.constant 0 : i32
    %dma_wait3A_26 = arith.constant 0 : i32
    %dma_wait3A_27 = tpu.memref_slice %arg3[%dma_wait3A_25, %dma_wait3A_26] : memref<1000x128xf32, #tpu.memory_space<hbm>> -> memref<224x128xf32, #tpu.memory_space<hbm>>
    tpu.wait_dma2 semaphore(%dma_wait3A_24 : memref<!tpu.dma_semaphore, #tpu.memory_space<semaphore_mem>>) src(%dma_wait3A_27 : memref<224x128xf32, #tpu.memory_space<hbm>>) dst(%arg5 : memref<224x128xf32, #tpu.memory_space<vmem>>)
    %dma_wait3A_28 = arith.constant 0 : i32
    %dma_wait3A_29 = arith.constant 0 : i32
    %dma_wait3A_30 = arith.constant 0 : i32
    %dma_wait3A_31 = tpu.memref_slice %arg2[%dma_wait3A_29, %dma_wait3A_30] : memref<1000x128xf32, #tpu.memory_space<hbm>> -> memref<224x128xf32, #tpu.memory_space<hbm>>
    %dma_wait3A_32 = tpu.memref_slice %arg8[%dma_wait3A_28] : memref<2x!tpu.dma_semaphore, #tpu.memory_space<semaphore_mem>> -> memref<1x!tpu.dma_semaphore, #tpu.memory_space<semaphore_mem>>
    %dma_wait3A_33 = tpu.memref_squeeze %dma_wait3A_32 : memref<1x!tpu.dma_semaphore, #tpu.memory_space<semaphore_mem>> -> memref<!tpu.dma_semaphore, #tpu.memory_space<semaphore_mem>>
    %dma_wait3A_34 = arith.constant 0 : i32
    %dma_wait3A_35 = arith.constant 0 : i32
    %dma_wait3A_36 = tpu.memref_slice %arg2[%dma_wait3A_34, %dma_wait3A_35] : memref<1000x128xf32, #tpu.memory_space<hbm>> -> memref<224x128xf32, #tpu.memory_space<hbm>>
    tpu.wait_dma2 semaphore(%dma_wait3A_33 : memref<!tpu.dma_semaphore, #tpu.memory_space<semaphore_mem>>) src(%dma_wait3A_36 : memref<224x128xf32, #tpu.memory_space<hbm>>) dst(%arg6 : memref<224x128xf32, #tpu.memory_space<vmem>>)
    %scan3A = arith.constant 0 : i32
    %scan3A_37 = arith.constant 0 : i32
    %scan3A_38 = arith.constant 7 : i32
    %scan3A_39 = arith.addi %scan3A_37, %scan3A_38 : i32
    %scan3A_40 = arith.constant 1 : i32
    scf.for %scan3A_218 = %scan3A_37 to %scan3A_39 step %scan3A_40  : i32 {
      %rem3A = arith.constant 2 : i32
      %rem3A_219 = arith.remsi %scan3A_218, %rem3A : i32
      %ge3A = arith.constant 2 : i32
      %ge3A_220 = arith.cmpi sge, %scan3A_218, %ge3A : i32
      %convert_element_type3A = arith.extui %ge3A_220 : i1 to i32
      %cond3A = arith.constant 0 : i32
      %cond3A_221 = arith.cmpi ne, %convert_element_type3A, %cond3A : i32
      scf.if %cond3A_221 {
        %dma_wait3A_335 = arith.constant 0 : i32
        %dma_wait3A_336 = arith.constant 0 : i32
        %dma_wait3A_337 = arith.constant 0 : i32
        %dma_wait3A_338 = arith.constant 0 : i32
        %dma_wait3A_339 = arith.constant 0 : i32
        %dma_wait3A_340 = tpu.memref_slice %arg7[%dma_wait3A_337, %dma_wait3A_338, %dma_wait3A_339] : memref<2x224x128xf32, #tpu.memory_space<vmem>> -> memref<1x224x128xf32, #tpu.memory_space<vmem>>
        %dma_wait3A_341 = tpu.memref_squeeze %dma_wait3A_340 : memref<1x224x128xf32, #tpu.memory_space<vmem>> -> memref<224x128xf32, #tpu.memory_space<vmem>>
        %dma_wait3A_342 = arith.constant 0 : i32
        %dma_wait3A_343 = arith.constant 0 : i32
        %dma_wait3A_344 = tpu.memref_slice %arg4[%dma_wait3A_335, %dma_wait3A_336, %dma_wait3A_342, %dma_wait3A_343] : memref<4x224x224x128xf32, #tpu.memory_space<hbm>> -> memref<1x1x224x128xf32, #tpu.memory_space<hbm>>
        %dma_wait3A_345 = tpu.memref_squeeze %dma_wait3A_344 : memref<1x1x224x128xf32, #tpu.memory_space<hbm>> -> memref<224x128xf32, #tpu.memory_space<hbm>>
        %dma_wait3A_346 = tpu.memref_slice %arg8[%rem3A_219] : memref<2x!tpu.dma_semaphore, #tpu.memory_space<semaphore_mem>> -> memref<1x!tpu.dma_semaphore, #tpu.memory_space<semaphore_mem>>
        %dma_wait3A_347 = tpu.memref_squeeze %dma_wait3A_346 : memref<1x!tpu.dma_semaphore, #tpu.memory_space<semaphore_mem>> -> memref<!tpu.dma_semaphore, #tpu.memory_space<semaphore_mem>>
        %dma_wait3A_348 = arith.constant 0 : i32
        %dma_wait3A_349 = arith.constant 0 : i32
        %dma_wait3A_350 = tpu.memref_slice %arg7[%dma_wait3A_337, %dma_wait3A_348, %dma_wait3A_349] : memref<2x224x128xf32, #tpu.memory_space<vmem>> -> memref<1x224x128xf32, #tpu.memory_space<vmem>>
        %dma_wait3A_351 = tpu.memref_squeeze %dma_wait3A_350 : memref<1x224x128xf32, #tpu.memory_space<vmem>> -> memref<224x128xf32, #tpu.memory_space<vmem>>
        %dma_wait3A_352 = arith.constant 0 : i32
        %dma_wait3A_353 = arith.constant 0 : i32
        %dma_wait3A_354 = tpu.memref_slice %arg4[%dma_wait3A_335, %dma_wait3A_336, %dma_wait3A_352, %dma_wait3A_353] : memref<4x224x224x128xf32, #tpu.memory_space<hbm>> -> memref<1x1x224x128xf32, #tpu.memory_space<hbm>>
        %dma_wait3A_355 = tpu.memref_squeeze %dma_wait3A_354 : memref<1x1x224x128xf32, #tpu.memory_space<hbm>> -> memref<224x128xf32, #tpu.memory_space<hbm>>
        tpu.wait_dma2 semaphore(%dma_wait3A_347 : memref<!tpu.dma_semaphore, #tpu.memory_space<semaphore_mem>>) src(%dma_wait3A_355 : memref<224x128xf32, #tpu.memory_space<hbm>>) dst(%dma_wait3A_351 : memref<224x128xf32, #tpu.memory_space<vmem>>)
        %dma_wait3A_356 = arith.constant 0 : i32
        %dma_wait3A_357 = arith.constant 0 : i32
        %dma_wait3A_358 = arith.constant 0 : i32
        %dma_wait3A_359 = arith.constant 0 : i32
        %dma_wait3A_360 = arith.constant 0 : i32
        %dma_wait3A_361 = tpu.memref_slice %arg7[%dma_wait3A_358, %dma_wait3A_359, %dma_wait3A_360] : memref<2x224x128xf32, #tpu.memory_space<vmem>> -> memref<1x224x128xf32, #tpu.memory_space<vmem>>
        %dma_wait3A_362 = tpu.memref_squeeze %dma_wait3A_361 : memref<1x224x128xf32, #tpu.memory_space<vmem>> -> memref<224x128xf32, #tpu.memory_space<vmem>>
        %dma_wait3A_363 = arith.constant 0 : i32
        %dma_wait3A_364 = arith.constant 0 : i32
        %dma_wait3A_365 = tpu.memref_slice %arg4[%dma_wait3A_356, %dma_wait3A_357, %dma_wait3A_363, %dma_wait3A_364] : memref<4x224x224x128xf32, #tpu.memory_space<hbm>> -> memref<1x1x224x128xf32, #tpu.memory_space<hbm>>
        %dma_wait3A_366 = tpu.memref_squeeze %dma_wait3A_365 : memref<1x1x224x128xf32, #tpu.memory_space<hbm>> -> memref<224x128xf32, #tpu.memory_space<hbm>>
        %dma_wait3A_367 = tpu.memref_slice %arg8[%rem3A_219] : memref<2x!tpu.dma_semaphore, #tpu.memory_space<semaphore_mem>> -> memref<1x!tpu.dma_semaphore, #tpu.memory_space<semaphore_mem>>
        %dma_wait3A_368 = tpu.memref_squeeze %dma_wait3A_367 : memref<1x!tpu.dma_semaphore, #tpu.memory_space<semaphore_mem>> -> memref<!tpu.dma_semaphore, #tpu.memory_space<semaphore_mem>>
        %dma_wait3A_369 = arith.constant 0 : i32
        %dma_wait3A_370 = arith.constant 0 : i32
        %dma_wait3A_371 = tpu.memref_slice %arg7[%dma_wait3A_358, %dma_wait3A_369, %dma_wait3A_370] : memref<2x224x128xf32, #tpu.memory_space<vmem>> -> memref<1x224x128xf32, #tpu.memory_space<vmem>>
        %dma_wait3A_372 = tpu.memref_squeeze %dma_wait3A_371 : memref<1x224x128xf32, #tpu.memory_space<vmem>> -> memref<224x128xf32, #tpu.memory_space<vmem>>
        %dma_wait3A_373 = arith.constant 0 : i32
        %dma_wait3A_374 = arith.constant 0 : i32
        %dma_wait3A_375 = tpu.memref_slice %arg4[%dma_wait3A_356, %dma_wait3A_357, %dma_wait3A_373, %dma_wait3A_374] : memref<4x224x224x128xf32, #tpu.memory_space<hbm>> -> memref<1x1x224x128xf32, #tpu.memory_space<hbm>>
        %dma_wait3A_376 = tpu.memref_squeeze %dma_wait3A_375 : memref<1x1x224x128xf32, #tpu.memory_space<hbm>> -> memref<224x128xf32, #tpu.memory_space<hbm>>
        tpu.wait_dma2 semaphore(%dma_wait3A_368 : memref<!tpu.dma_semaphore, #tpu.memory_space<semaphore_mem>>) src(%dma_wait3A_376 : memref<224x128xf32, #tpu.memory_space<hbm>>) dst(%dma_wait3A_372 : memref<224x128xf32, #tpu.memory_space<vmem>>)
        %dma_wait3A_377 = arith.constant 0 : i32
        %dma_wait3A_378 = arith.constant 0 : i32
        %dma_wait3A_379 = arith.constant 0 : i32
        %dma_wait3A_380 = arith.constant 0 : i32
        %dma_wait3A_381 = arith.constant 0 : i32
        %dma_wait3A_382 = tpu.memref_slice %arg7[%dma_wait3A_379, %dma_wait3A_380, %dma_wait3A_381] : memref<2x224x128xf32, #tpu.memory_space<vmem>> -> memref<1x224x128xf32, #tpu.memory_space<vmem>>
        %dma_wait3A_383 = tpu.memref_squeeze %dma_wait3A_382 : memref<1x224x128xf32, #tpu.memory_space<vmem>> -> memref<224x128xf32, #tpu.memory_space<vmem>>
        %dma_wait3A_384 = arith.constant 0 : i32
        %dma_wait3A_385 = arith.constant 0 : i32
        %dma_wait3A_386 = tpu.memref_slice %arg4[%dma_wait3A_377, %dma_wait3A_378, %dma_wait3A_384, %dma_wait3A_385] : memref<4x224x224x128xf32, #tpu.memory_space<hbm>> -> memref<1x1x224x128xf32, #tpu.memory_space<hbm>>
        %dma_wait3A_387 = tpu.memref_squeeze %dma_wait3A_386 : memref<1x1x224x128xf32, #tpu.memory_space<hbm>> -> memref<224x128xf32, #tpu.memory_space<hbm>>
        %dma_wait3A_388 = tpu.memref_slice %arg8[%rem3A_219] : memref<2x!tpu.dma_semaphore, #tpu.memory_space<semaphore_mem>> -> memref<1x!tpu.dma_semaphore, #tpu.memory_space<semaphore_mem>>
        %dma_wait3A_389 = tpu.memref_squeeze %dma_wait3A_388 : memref<1x!tpu.dma_semaphore, #tpu.memory_space<semaphore_mem>> -> memref<!tpu.dma_semaphore, #tpu.memory_space<semaphore_mem>>
        %dma_wait3A_390 = arith.constant 0 : i32
        %dma_wait3A_391 = arith.constant 0 : i32
        %dma_wait3A_392 = tpu.memref_slice %arg7[%dma_wait3A_379, %dma_wait3A_390, %dma_wait3A_391] : memref<2x224x128xf32, #tpu.memory_space<vmem>> -> memref<1x224x128xf32, #tpu.memory_space<vmem>>
        %dma_wait3A_393 = tpu.memref_squeeze %dma_wait3A_392 : memref<1x224x128xf32, #tpu.memory_space<vmem>> -> memref<224x128xf32, #tpu.memory_space<vmem>>
        %dma_wait3A_394 = arith.constant 0 : i32
        %dma_wait3A_395 = arith.constant 0 : i32
        %dma_wait3A_396 = tpu.memref_slice %arg4[%dma_wait3A_377, %dma_wait3A_378, %dma_wait3A_394, %dma_wait3A_395] : memref<4x224x224x128xf32, #tpu.memory_space<hbm>> -> memref<1x1x224x128xf32, #tpu.memory_space<hbm>>
        %dma_wait3A_397 = tpu.memref_squeeze %dma_wait3A_396 : memref<1x1x224x128xf32, #tpu.memory_space<hbm>> -> memref<224x128xf32, #tpu.memory_space<hbm>>
        tpu.wait_dma2 semaphore(%dma_wait3A_389 : memref<!tpu.dma_semaphore, #tpu.memory_space<semaphore_mem>>) src(%dma_wait3A_397 : memref<224x128xf32, #tpu.memory_space<hbm>>) dst(%dma_wait3A_393 : memref<224x128xf32, #tpu.memory_space<vmem>>)
        %dma_wait3A_398 = arith.constant 0 : i32
        %dma_wait3A_399 = arith.constant 0 : i32
        %dma_wait3A_400 = arith.constant 0 : i32
        %dma_wait3A_401 = arith.constant 0 : i32
        %dma_wait3A_402 = arith.constant 0 : i32
        %dma_wait3A_403 = tpu.memref_slice %arg7[%dma_wait3A_400, %dma_wait3A_401, %dma_wait3A_402] : memref<2x224x128xf32, #tpu.memory_space<vmem>> -> memref<1x224x128xf32, #tpu.memory_space<vmem>>
        %dma_wait3A_404 = tpu.memref_squeeze %dma_wait3A_403 : memref<1x224x128xf32, #tpu.memory_space<vmem>> -> memref<224x128xf32, #tpu.memory_space<vmem>>
        %dma_wait3A_405 = arith.constant 0 : i32
        %dma_wait3A_406 = arith.constant 0 : i32
        %dma_wait3A_407 = tpu.memref_slice %arg4[%dma_wait3A_398, %dma_wait3A_399, %dma_wait3A_405, %dma_wait3A_406] : memref<4x224x224x128xf32, #tpu.memory_space<hbm>> -> memref<1x1x224x128xf32, #tpu.memory_space<hbm>>
        %dma_wait3A_408 = tpu.memref_squeeze %dma_wait3A_407 : memref<1x1x224x128xf32, #tpu.memory_space<hbm>> -> memref<224x128xf32, #tpu.memory_space<hbm>>
        %dma_wait3A_409 = tpu.memref_slice %arg8[%rem3A_219] : memref<2x!tpu.dma_semaphore, #tpu.memory_space<semaphore_mem>> -> memref<1x!tpu.dma_semaphore, #tpu.memory_space<semaphore_mem>>
        %dma_wait3A_410 = tpu.memref_squeeze %dma_wait3A_409 : memref<1x!tpu.dma_semaphore, #tpu.memory_space<semaphore_mem>> -> memref<!tpu.dma_semaphore, #tpu.memory_space<semaphore_mem>>
        %dma_wait3A_411 = arith.constant 0 : i32
        %dma_wait3A_412 = arith.constant 0 : i32
        %dma_wait3A_413 = tpu.memref_slice %arg7[%dma_wait3A_400, %dma_wait3A_411, %dma_wait3A_412] : memref<2x224x128xf32, #tpu.memory_space<vmem>> -> memref<1x224x128xf32, #tpu.memory_space<vmem>>
        %dma_wait3A_414 = tpu.memref_squeeze %dma_wait3A_413 : memref<1x224x128xf32, #tpu.memory_space<vmem>> -> memref<224x128xf32, #tpu.memory_space<vmem>>
        %dma_wait3A_415 = arith.constant 0 : i32
        %dma_wait3A_416 = arith.constant 0 : i32
        %dma_wait3A_417 = tpu.memref_slice %arg4[%dma_wait3A_398, %dma_wait3A_399, %dma_wait3A_415, %dma_wait3A_416] : memref<4x224x224x128xf32, #tpu.memory_space<hbm>> -> memref<1x1x224x128xf32, #tpu.memory_space<hbm>>
        %dma_wait3A_418 = tpu.memref_squeeze %dma_wait3A_417 : memref<1x1x224x128xf32, #tpu.memory_space<hbm>> -> memref<224x128xf32, #tpu.memory_space<hbm>>
        tpu.wait_dma2 semaphore(%dma_wait3A_410 : memref<!tpu.dma_semaphore, #tpu.memory_space<semaphore_mem>>) src(%dma_wait3A_418 : memref<224x128xf32, #tpu.memory_space<hbm>>) dst(%dma_wait3A_414 : memref<224x128xf32, #tpu.memory_space<vmem>>)
      } else {
      }
      %add3A_222 = arith.addi %mul3A_2, %scan3A_218 : i32
      %get3A = arith.index_cast %add3A_222 : i32 to index
      %get3A_223 = arith.constant 0 : index
      %get3A_224 = tpu.vector_load %arg6[%get3A, %get3A_223] {strides = array<i32>} : memref<224x128xf32, #tpu.memory_space<vmem>>, vector<16xf32>,
      %add3A_225 = arith.addi %mul3A_2, %scan3A_218 : i32
      %get3A_226 = arith.index_cast %add3A_225 : i32 to index
      %get3A_227 = arith.constant 16 : index
      %get3A_228 = tpu.vector_load %arg6[%get3A_226, %get3A_227] {strides = array<i32>} : memref<224x128xf32, #tpu.memory_space<vmem>>, vector<16xf32>,
      %add3A_229 = arith.addi %mul3A_2, %scan3A_218 : i32
      %get3A_230 = arith.index_cast %add3A_229 : i32 to index
      %get3A_231 = arith.constant 32 : index
      %get3A_232 = tpu.vector_load %arg6[%get3A_230, %get3A_231] {strides = array<i32>} : memref<224x128xf32, #tpu.memory_space<vmem>>, vector<16xf32>,
      %add3A_233 = arith.addi %mul3A_2, %scan3A_218 : i32
      %get3A_234 = arith.index_cast %add3A_233 : i32 to index
      %get3A_235 = arith.constant 48 : index
      %get3A_236 = tpu.vector_load %arg6[%get3A_234, %get3A_235] {strides = array<i32>} : memref<224x128xf32, #tpu.memory_space<vmem>>, vector<16xf32>,
      %add3A_237 = arith.addi %mul3A_2, %scan3A_218 : i32
      %get3A_238 = arith.index_cast %add3A_237 : i32 to index
      %get3A_239 = arith.constant 64 : index
      %get3A_240 = tpu.vector_load %arg6[%get3A_238, %get3A_239] {strides = array<i32>} : memref<224x128xf32, #tpu.memory_space<vmem>>, vector<16xf32>,
      %add3A_241 = arith.addi %mul3A_2, %scan3A_218 : i32
      %get3A_242 = arith.index_cast %add3A_241 : i32 to index
      %get3A_243 = arith.constant 80 : index
      %get3A_244 = tpu.vector_load %arg6[%get3A_242, %get3A_243] {strides = array<i32>} : memref<224x128xf32, #tpu.memory_space<vmem>>, vector<16xf32>,
      %add3A_245 = arith.addi %mul3A_2, %scan3A_218 : i32
      %get3A_246 = arith.index_cast %add3A_245 : i32 to index
      %get3A_247 = arith.constant 96 : index
      %get3A_248 = tpu.vector_load %arg6[%get3A_246, %get3A_247] {strides = array<i32>} : memref<224x128xf32, #tpu.memory_space<vmem>>, vector<16xf32>,
      %add3A_249 = arith.addi %mul3A_2, %scan3A_218 : i32
      %get3A_250 = arith.index_cast %add3A_249 : i32 to index
      %get3A_251 = arith.constant 112 : index
      %get3A_252 = tpu.vector_load %arg6[%get3A_250, %get3A_251] {strides = array<i32>} : memref<224x128xf32, #tpu.memory_space<vmem>>, vector<16xf32>,
      %parallel_loop3A = arith.constant 0 : i32
      %parallel_loop3A_253 = arith.constant 224 : i32
      %parallel_loop3A_254 = arith.constant 1 : i32
      scf.for %parallel_loop3A_335 = %parallel_loop3A to %parallel_loop3A_253 step %parallel_loop3A_254  : i32 {
        %parallel_loop3A_336 = arith.index_cast %parallel_loop3A_335 : i32 to index
        %parallel_loop3A_337 = arith.constant 0 : index
        %parallel_loop3A_338 = tpu.vector_load %arg5[%parallel_loop3A_336, %parallel_loop3A_337] {strides = array<i32>} : memref<224x128xf32, #tpu.memory_space<vmem>>, vector<16xf32>,
        %parallel_loop3A_339 = arith.addf %parallel_loop3A_338, %get3A_224 : vector<16xf32>
        %parallel_loop3A_340 = arith.index_cast %rem3A_219 : i32 to index
        %parallel_loop3A_341 = arith.index_cast %parallel_loop3A_335 : i32 to index
        %parallel_loop3A_342 = arith.constant 0 : index
        %parallel_loop3A_343 = tpu.vector_load %arg7[%parallel_loop3A_340, %parallel_loop3A_341, %parallel_loop3A_342] {strides = array<i32>} : memref<2x224x128xf32, #tpu.memory_space<vmem>>, vector<16xf32>,
        tpu.vector_store %arg7[%parallel_loop3A_340, %parallel_loop3A_341, %parallel_loop3A_342], %parallel_loop3A_339 {strides = array<i32>} : memref<2x224x128xf32, #tpu.memory_space<vmem>>, vector<16xf32>,
        %parallel_loop3A_344 = arith.index_cast %parallel_loop3A_335 : i32 to index
        %parallel_loop3A_345 = arith.constant 16 : index
        %parallel_loop3A_346 = tpu.vector_load %arg5[%parallel_loop3A_344, %parallel_loop3A_345] {strides = array<i32>} : memref<224x128xf32, #tpu.memory_space<vmem>>, vector<16xf32>,
        %parallel_loop3A_347 = arith.addf %parallel_loop3A_346, %get3A_228 : vector<16xf32>
        %parallel_loop3A_348 = arith.index_cast %rem3A_219 : i32 to index
        %parallel_loop3A_349 = arith.index_cast %parallel_loop3A_335 : i32 to index
        %parallel_loop3A_350 = arith.constant 16 : index
        %parallel_loop3A_351 = tpu.vector_load %arg7[%parallel_loop3A_348, %parallel_loop3A_349, %parallel_loop3A_350] {strides = array<i32>} : memref<2x224x128xf32, #tpu.memory_space<vmem>>, vector<16xf32>,
        tpu.vector_store %arg7[%parallel_loop3A_348, %parallel_loop3A_349, %parallel_loop3A_350], %parallel_loop3A_347 {strides = array<i32>} : memref<2x224x128xf32, #tpu.memory_space<vmem>>, vector<16xf32>,
        %parallel_loop3A_352 = arith.index_cast %parallel_loop3A_335 : i32 to index
        %parallel_loop3A_353 = arith.constant 32 : index
        %parallel_loop3A_354 = tpu.vector_load %arg5[%parallel_loop3A_352, %parallel_loop3A_353] {strides = array<i32>} : memref<224x128xf32, #tpu.memory_space<vmem>>, vector<16xf32>,
        %parallel_loop3A_355 = arith.addf %parallel_loop3A_354, %get3A_232 : vector<16xf32>
        %parallel_loop3A_356 = arith.index_cast %rem3A_219 : i32 to index
        %parallel_loop3A_357 = arith.index_cast %parallel_loop3A_335 : i32 to index
        %parallel_loop3A_358 = arith.constant 32 : index
        %parallel_loop3A_359 = tpu.vector_load %arg7[%parallel_loop3A_356, %parallel_loop3A_357, %parallel_loop3A_358] {strides = array<i32>} : memref<2x224x128xf32, #tpu.memory_space<vmem>>, vector<16xf32>,
        tpu.vector_store %arg7[%parallel_loop3A_356, %parallel_loop3A_357, %parallel_loop3A_358], %parallel_loop3A_355 {strides = array<i32>} : memref<2x224x128xf32, #tpu.memory_space<vmem>>, vector<16xf32>,
        %parallel_loop3A_360 = arith.index_cast %parallel_loop3A_335 : i32 to index
        %parallel_loop3A_361 = arith.constant 48 : index
        %parallel_loop3A_362 = tpu.vector_load %arg5[%parallel_loop3A_360, %parallel_loop3A_361] {strides = array<i32>} : memref<224x128xf32, #tpu.memory_space<vmem>>, vector<16xf32>,
        %parallel_loop3A_363 = arith.addf %parallel_loop3A_362, %get3A_236 : vector<16xf32>
        %parallel_loop3A_364 = arith.index_cast %rem3A_219 : i32 to index
        %parallel_loop3A_365 = arith.index_cast %parallel_loop3A_335 : i32 to index
        %parallel_loop3A_366 = arith.constant 48 : index
        %parallel_loop3A_367 = tpu.vector_load %arg7[%parallel_loop3A_364, %parallel_loop3A_365, %parallel_loop3A_366] {strides = array<i32>} : memref<2x224x128xf32, #tpu.memory_space<vmem>>, vector<16xf32>,
        tpu.vector_store %arg7[%parallel_loop3A_364, %parallel_loop3A_365, %parallel_loop3A_366], %parallel_loop3A_363 {strides = array<i32>} : memref<2x224x128xf32, #tpu.memory_space<vmem>>, vector<16xf32>,
        %parallel_loop3A_368 = arith.index_cast %parallel_loop3A_335 : i32 to index
        %parallel_loop3A_369 = arith.constant 64 : index
        %parallel_loop3A_370 = tpu.vector_load %arg5[%parallel_loop3A_368, %parallel_loop3A_369] {strides = array<i32>} : memref<224x128xf32, #tpu.memory_space<vmem>>, vector<16xf32>,
        %parallel_loop3A_371 = arith.addf %parallel_loop3A_370, %get3A_240 : vector<16xf32>
        %parallel_loop3A_372 = arith.index_cast %rem3A_219 : i32 to index
        %parallel_loop3A_373 = arith.index_cast %parallel_loop3A_335 : i32 to index
        %parallel_loop3A_374 = arith.constant 64 : index
        %parallel_loop3A_375 = tpu.vector_load %arg7[%parallel_loop3A_372, %parallel_loop3A_373, %parallel_loop3A_374] {strides = array<i32>} : memref<2x224x128xf32, #tpu.memory_space<vmem>>, vector<16xf32>,
        tpu.vector_store %arg7[%parallel_loop3A_372, %parallel_loop3A_373, %parallel_loop3A_374], %parallel_loop3A_371 {strides = array<i32>} : memref<2x224x128xf32, #tpu.memory_space<vmem>>, vector<16xf32>,
        %parallel_loop3A_376 = arith.index_cast %parallel_loop3A_335 : i32 to index
        %parallel_loop3A_377 = arith.constant 80 : index
        %parallel_loop3A_378 = tpu.vector_load %arg5[%parallel_loop3A_376, %parallel_loop3A_377] {strides = array<i32>} : memref<224x128xf32, #tpu.memory_space<vmem>>, vector<16xf32>,
        %parallel_loop3A_379 = arith.addf %parallel_loop3A_378, %get3A_244 : vector<16xf32>
        %parallel_loop3A_380 = arith.index_cast %rem3A_219 : i32 to index
        %parallel_loop3A_381 = arith.index_cast %parallel_loop3A_335 : i32 to index
        %parallel_loop3A_382 = arith.constant 80 : index
        %parallel_loop3A_383 = tpu.vector_load %arg7[%parallel_loop3A_380, %parallel_loop3A_381, %parallel_loop3A_382] {strides = array<i32>} : memref<2x224x128xf32, #tpu.memory_space<vmem>>, vector<16xf32>,
        tpu.vector_store %arg7[%parallel_loop3A_380, %parallel_loop3A_381, %parallel_loop3A_382], %parallel_loop3A_379 {strides = array<i32>} : memref<2x224x128xf32, #tpu.memory_space<vmem>>, vector<16xf32>,
        %parallel_loop3A_384 = arith.index_cast %parallel_loop3A_335 : i32 to index
        %parallel_loop3A_385 = arith.constant 96 : index
        %parallel_loop3A_386 = tpu.vector_load %arg5[%parallel_loop3A_384, %parallel_loop3A_385] {strides = array<i32>} : memref<224x128xf32, #tpu.memory_space<vmem>>, vector<16xf32>,
        %parallel_loop3A_387 = arith.addf %parallel_loop3A_386, %get3A_248 : vector<16xf32>
        %parallel_loop3A_388 = arith.index_cast %rem3A_219 : i32 to index
        %parallel_loop3A_389 = arith.index_cast %parallel_loop3A_335 : i32 to index
        %parallel_loop3A_390 = arith.constant 96 : index
        %parallel_loop3A_391 = tpu.vector_load %arg7[%parallel_loop3A_388, %parallel_loop3A_389, %parallel_loop3A_390] {strides = array<i32>} : memref<2x224x128xf32, #tpu.memory_space<vmem>>, vector<16xf32>,
        tpu.vector_store %arg7[%parallel_loop3A_388, %parallel_loop3A_389, %parallel_loop3A_390], %parallel_loop3A_387 {strides = array<i32>} : memref<2x224x128xf32, #tpu.memory_space<vmem>>, vector<16xf32>,
        %parallel_loop3A_392 = arith.index_cast %parallel_loop3A_335 : i32 to index
        %parallel_loop3A_393 = arith.constant 112 : index
        %parallel_loop3A_394 = tpu.vector_load %arg5[%parallel_loop3A_392, %parallel_loop3A_393] {strides = array<i32>} : memref<224x128xf32, #tpu.memory_space<vmem>>, vector<16xf32>,
        %parallel_loop3A_395 = arith.addf %parallel_loop3A_394, %get3A_252 : vector<16xf32>
        %parallel_loop3A_396 = arith.index_cast %rem3A_219 : i32 to index
        %parallel_loop3A_397 = arith.index_cast %parallel_loop3A_335 : i32 to index
        %parallel_loop3A_398 = arith.constant 112 : index
        %parallel_loop3A_399 = tpu.vector_load %arg7[%parallel_loop3A_396, %parallel_loop3A_397, %parallel_loop3A_398] {strides = array<i32>} : memref<2x224x128xf32, #tpu.memory_space<vmem>>, vector<16xf32>,
        tpu.vector_store %arg7[%parallel_loop3A_396, %parallel_loop3A_397, %parallel_loop3A_398], %parallel_loop3A_395 {strides = array<i32>} : memref<2x224x128xf32, #tpu.memory_space<vmem>>, vector<16xf32>,
      } {sc.loop_unroll_factor = 4 : i64, sc.parallel_access}
      %add3A_255 = arith.addi %mul3A_2, %scan3A_218 : i32
      %dma_start3A_256 = arith.constant 0 : i32
      %dma_start3A_257 = arith.constant 0 : i32
      %dma_start3A_258 = arith.constant 0 : i32
      %dma_start3A_259 = tpu.memref_slice %arg7[%rem3A_219, %dma_start3A_257, %dma_start3A_258] : memref<2x224x128xf32, #tpu.memory_space<vmem>> -> memref<1x224x128xf32, #tpu.memory_space<vmem>>
      %dma_start3A_260 = tpu.memref_squeeze %dma_start3A_259 : memref<1x224x128xf32, #tpu.memory_space<vmem>> -> memref<224x128xf32, #tpu.memory_space<vmem>>
      %dma_start3A_261 = arith.constant 0 : i32
      %dma_start3A_262 = arith.constant 0 : i32
      %dma_start3A_263 = tpu.memref_slice %arg4[%dma_start3A_256, %add3A_255, %dma_start3A_261, %dma_start3A_262] : memref<4x224x224x128xf32, #tpu.memory_space<hbm>> -> memref<1x1x224x128xf32, #tpu.memory_space<hbm>>
      %dma_start3A_264 = tpu.memref_squeeze %dma_start3A_263 : memref<1x1x224x128xf32, #tpu.memory_space<hbm>> -> memref<224x128xf32, #tpu.memory_space<hbm>>
      %dma_start3A_265 = tpu.memref_slice %arg8[%rem3A_219] : memref<2x!tpu.dma_semaphore, #tpu.memory_space<semaphore_mem>> -> memref<1x!tpu.dma_semaphore, #tpu.memory_space<semaphore_mem>>
      %dma_start3A_266 = tpu.memref_squeeze %dma_start3A_265 : memref<1x!tpu.dma_semaphore, #tpu.memory_space<semaphore_mem>> -> memref<!tpu.dma_semaphore, #tpu.memory_space<semaphore_mem>>
      %dma_start3A_267 = arith.constant 0 : i32
      %dma_start3A_268 = arith.constant 0 : i32
      %dma_start3A_269 = tpu.memref_slice %arg4[%dma_start3A_256, %add3A_255, %dma_start3A_267, %dma_start3A_268] : memref<4x224x224x128xf32, #tpu.memory_space<hbm>> -> memref<1x1x224x128xf32, #tpu.memory_space<hbm>>
      %dma_start3A_270 = tpu.memref_squeeze %dma_start3A_269 : memref<1x1x224x128xf32, #tpu.memory_space<hbm>> -> memref<224x128xf32, #tpu.memory_space<hbm>>
      %dma_start3A_271 = arith.constant 0 : i32
      %dma_start3A_272 = arith.constant 0 : i32
      %dma_start3A_273 = tpu.memref_slice %arg7[%rem3A_219, %dma_start3A_271, %dma_start3A_272] : memref<2x224x128xf32, #tpu.memory_space<vmem>> -> memref<1x224x128xf32, #tpu.memory_space<vmem>>
      %dma_start3A_274 = tpu.memref_squeeze %dma_start3A_273 : memref<1x224x128xf32, #tpu.memory_space<vmem>> -> memref<224x128xf32, #tpu.memory_space<vmem>>
      tpu.enqueue_dma source(%dma_start3A_274 : memref<224x128xf32, #tpu.memory_space<vmem>>) target(%dma_start3A_270 : memref<224x128xf32, #tpu.memory_space<hbm>>) target_semaphore(%dma_start3A_266 : memref<!tpu.dma_semaphore, #tpu.memory_space<semaphore_mem>>)
      %add3A_275 = arith.addi %mul3A_2, %scan3A_218 : i32
      %dma_start3A_276 = arith.constant 1 : i32
      %dma_start3A_277 = arith.constant 0 : i32
      %dma_start3A_278 = arith.constant 0 : i32
      %dma_start3A_279 = tpu.memref_slice %arg7[%rem3A_219, %dma_start3A_277, %dma_start3A_278] : memref<2x224x128xf32, #tpu.memory_space<vmem>> -> memref<1x224x128xf32, #tpu.memory_space<vmem>>
      %dma_start3A_280 = tpu.memref_squeeze %dma_start3A_279 : memref<1x224x128xf32, #tpu.memory_space<vmem>> -> memref<224x128xf32, #tpu.memory_space<vmem>>
      %dma_start3A_281 = arith.constant 0 : i32
      %dma_start3A_282 = arith.constant 0 : i32
      %dma_start3A_283 = tpu.memref_slice %arg4[%dma_start3A_276, %add3A_275, %dma_start3A_281, %dma_start3A_282] : memref<4x224x224x128xf32, #tpu.memory_space<hbm>> -> memref<1x1x224x128xf32, #tpu.memory_space<hbm>>
      %dma_start3A_284 = tpu.memref_squeeze %dma_start3A_283 : memref<1x1x224x128xf32, #tpu.memory_space<hbm>> -> memref<224x128xf32, #tpu.memory_space<hbm>>
      %dma_start3A_285 = tpu.memref_slice %arg8[%rem3A_219] : memref<2x!tpu.dma_semaphore, #tpu.memory_space<semaphore_mem>> -> memref<1x!tpu.dma_semaphore, #tpu.memory_space<semaphore_mem>>
      %dma_start3A_286 = tpu.memref_squeeze %dma_start3A_285 : memref<1x!tpu.dma_semaphore, #tpu.memory_space<semaphore_mem>> -> memref<!tpu.dma_semaphore, #tpu.memory_space<semaphore_mem>>
      %dma_start3A_287 = arith.constant 0 : i32
      %dma_start3A_288 = arith.constant 0 : i32
      %dma_start3A_289 = tpu.memref_slice %arg4[%dma_start3A_276, %add3A_275, %dma_start3A_287, %dma_start3A_288] : memref<4x224x224x128xf32, #tpu.memory_space<hbm>> -> memref<1x1x224x128xf32, #tpu.memory_space<hbm>>
      %dma_start3A_290 = tpu.memref_squeeze %dma_start3A_289 : memref<1x1x224x128xf32, #tpu.memory_space<hbm>> -> memref<224x128xf32, #tpu.memory_space<hbm>>
      %dma_start3A_291 = arith.constant 0 : i32
      %dma_start3A_292 = arith.constant 0 : i32
      %dma_start3A_293 = tpu.memref_slice %arg7[%rem3A_219, %dma_start3A_291, %dma_start3A_292] : memref<2x224x128xf32, #tpu.memory_space<vmem>> -> memref<1x224x128xf32, #tpu.memory_space<vmem>>
      %dma_start3A_294 = tpu.memref_squeeze %dma_start3A_293 : memref<1x224x128xf32, #tpu.memory_space<vmem>> -> memref<224x128xf32, #tpu.memory_space<vmem>>
      tpu.enqueue_dma source(%dma_start3A_294 : memref<224x128xf32, #tpu.memory_space<vmem>>) target(%dma_start3A_290 : memref<224x128xf32, #tpu.memory_space<hbm>>) target_semaphore(%dma_start3A_286 : memref<!tpu.dma_semaphore, #tpu.memory_space<semaphore_mem>>)
      %add3A_295 = arith.addi %mul3A_2, %scan3A_218 : i32
      %dma_start3A_296 = arith.constant 2 : i32
      %dma_start3A_297 = arith.constant 0 : i32
      %dma_start3A_298 = arith.constant 0 : i32
      %dma_start3A_299 = tpu.memref_slice %arg7[%rem3A_219, %dma_start3A_297, %dma_start3A_298] : memref<2x224x128xf32, #tpu.memory_space<vmem>> -> memref<1x224x128xf32, #tpu.memory_space<vmem>>
      %dma_start3A_300 = tpu.memref_squeeze %dma_start3A_299 : memref<1x224x128xf32, #tpu.memory_space<vmem>> -> memref<224x128xf32, #tpu.memory_space<vmem>>
      %dma_start3A_301 = arith.constant 0 : i32
      %dma_start3A_302 = arith.constant 0 : i32
      %dma_start3A_303 = tpu.memref_slice %arg4[%dma_start3A_296, %add3A_295, %dma_start3A_301, %dma_start3A_302] : memref<4x224x224x128xf32, #tpu.memory_space<hbm>> -> memref<1x1x224x128xf32, #tpu.memory_space<hbm>>
      %dma_start3A_304 = tpu.memref_squeeze %dma_start3A_303 : memref<1x1x224x128xf32, #tpu.memory_space<hbm>> -> memref<224x128xf32, #tpu.memory_space<hbm>>
      %dma_start3A_305 = tpu.memref_slice %arg8[%rem3A_219] : memref<2x!tpu.dma_semaphore, #tpu.memory_space<semaphore_mem>> -> memref<1x!tpu.dma_semaphore, #tpu.memory_space<semaphore_mem>>
      %dma_start3A_306 = tpu.memref_squeeze %dma_start3A_305 : memref<1x!tpu.dma_semaphore, #tpu.memory_space<semaphore_mem>> -> memref<!tpu.dma_semaphore, #tpu.memory_space<semaphore_mem>>
      %dma_start3A_307 = arith.constant 0 : i32
      %dma_start3A_308 = arith.constant 0 : i32
      %dma_start3A_309 = tpu.memref_slice %arg4[%dma_start3A_296, %add3A_295, %dma_start3A_307, %dma_start3A_308] : memref<4x224x224x128xf32, #tpu.memory_space<hbm>> -> memref<1x1x224x128xf32, #tpu.memory_space<hbm>>
      %dma_start3A_310 = tpu.memref_squeeze %dma_start3A_309 : memref<1x1x224x128xf32, #tpu.memory_space<hbm>> -> memref<224x128xf32, #tpu.memory_space<hbm>>
      %dma_start3A_311 = arith.constant 0 : i32
      %dma_start3A_312 = arith.constant 0 : i32
      %dma_start3A_313 = tpu.memref_slice %arg7[%rem3A_219, %dma_start3A_311, %dma_start3A_312] : memref<2x224x128xf32, #tpu.memory_space<vmem>> -> memref<1x224x128xf32, #tpu.memory_space<vmem>>
      %dma_start3A_314 = tpu.memref_squeeze %dma_start3A_313 : memref<1x224x128xf32, #tpu.memory_space<vmem>> -> memref<224x128xf32, #tpu.memory_space<vmem>>
      tpu.enqueue_dma source(%dma_start3A_314 : memref<224x128xf32, #tpu.memory_space<vmem>>) target(%dma_start3A_310 : memref<224x128xf32, #tpu.memory_space<hbm>>) target_semaphore(%dma_start3A_306 : memref<!tpu.dma_semaphore, #tpu.memory_space<semaphore_mem>>)
      %add3A_315 = arith.addi %mul3A_2, %scan3A_218 : i32
      %dma_start3A_316 = arith.constant 3 : i32
      %dma_start3A_317 = arith.constant 0 : i32
      %dma_start3A_318 = arith.constant 0 : i32
      %dma_start3A_319 = tpu.memref_slice %arg7[%rem3A_219, %dma_start3A_317, %dma_start3A_318] : memref<2x224x128xf32, #tpu.memory_space<vmem>> -> memref<1x224x128xf32, #tpu.memory_space<vmem>>
      %dma_start3A_320 = tpu.memref_squeeze %dma_start3A_319 : memref<1x224x128xf32, #tpu.memory_space<vmem>> -> memref<224x128xf32, #tpu.memory_space<vmem>>
      %dma_start3A_321 = arith.constant 0 : i32
      %dma_start3A_322 = arith.constant 0 : i32
      %dma_start3A_323 = tpu.memref_slice %arg4[%dma_start3A_316, %add3A_315, %dma_start3A_321, %dma_start3A_322] : memref<4x224x224x128xf32, #tpu.memory_space<hbm>> -> memref<1x1x224x128xf32, #tpu.memory_space<hbm>>
      %dma_start3A_324 = tpu.memref_squeeze %dma_start3A_323 : memref<1x1x224x128xf32, #tpu.memory_space<hbm>> -> memref<224x128xf32, #tpu.memory_space<hbm>>
      %dma_start3A_325 = tpu.memref_slice %arg8[%rem3A_219] : memref<2x!tpu.dma_semaphore, #tpu.memory_space<semaphore_mem>> -> memref<1x!tpu.dma_semaphore, #tpu.memory_space<semaphore_mem>>
      %dma_start3A_326 = tpu.memref_squeeze %dma_start3A_325 : memref<1x!tpu.dma_semaphore, #tpu.memory_space<semaphore_mem>> -> memref<!tpu.dma_semaphore, #tpu.memory_space<semaphore_mem>>
      %dma_start3A_327 = arith.constant 0 : i32
      %dma_start3A_328 = arith.constant 0 : i32
      %dma_start3A_329 = tpu.memref_slice %arg4[%dma_start3A_316, %add3A_315, %dma_start3A_327, %dma_start3A_328] : memref<4x224x224x128xf32, #tpu.memory_space<hbm>> -> memref<1x1x224x128xf32, #tpu.memory_space<hbm>>
      %dma_start3A_330 = tpu.memref_squeeze %dma_start3A_329 : memref<1x1x224x128xf32, #tpu.memory_space<hbm>> -> memref<224x128xf32, #tpu.memory_space<hbm>>
      %dma_start3A_331 = arith.constant 0 : i32
      %dma_start3A_332 = arith.constant 0 : i32
      %dma_start3A_333 = tpu.memref_slice %arg7[%rem3A_219, %dma_start3A_331, %dma_start3A_332] : memref<2x224x128xf32, #tpu.memory_space<vmem>> -> memref<1x224x128xf32, #tpu.memory_space<vmem>>
      %dma_start3A_334 = tpu.memref_squeeze %dma_start3A_333 : memref<1x224x128xf32, #tpu.memory_space<vmem>> -> memref<224x128xf32, #tpu.memory_space<vmem>>
      tpu.enqueue_dma source(%dma_start3A_334 : memref<224x128xf32, #tpu.memory_space<vmem>>) target(%dma_start3A_330 : memref<224x128xf32, #tpu.memory_space<hbm>>) target_semaphore(%dma_start3A_326 : memref<!tpu.dma_semaphore, #tpu.memory_space<semaphore_mem>>)
    }
    %scan3A_41 = arith.constant 7 : i32
    %dma_wait3A_42 = arith.constant 0 : i32
    %dma_wait3A_43 = arith.constant 0 : i32
    %dma_wait3A_44 = arith.constant 0 : i32
    %dma_wait3A_45 = arith.constant 1 : i32
    %dma_wait3A_46 = arith.constant 0 : i32
    %dma_wait3A_47 = arith.constant 0 : i32
    %dma_wait3A_48 = tpu.memref_slice %arg7[%dma_wait3A_44, %dma_wait3A_46, %dma_wait3A_47] : memref<2x224x128xf32, #tpu.memory_space<vmem>> -> memref<1x224x128xf32, #tpu.memory_space<vmem>>
    %dma_wait3A_49 = tpu.memref_squeeze %dma_wait3A_48 : memref<1x224x128xf32, #tpu.memory_space<vmem>> -> memref<224x128xf32, #tpu.memory_space<vmem>>
    %dma_wait3A_50 = arith.constant 0 : i32
    %dma_wait3A_51 = arith.constant 0 : i32
    %dma_wait3A_52 = tpu.memref_slice %arg4[%dma_wait3A_42, %dma_wait3A_43, %dma_wait3A_50, %dma_wait3A_51] : memref<4x224x224x128xf32, #tpu.memory_space<hbm>> -> memref<1x1x224x128xf32, #tpu.memory_space<hbm>>
    %dma_wait3A_53 = tpu.memref_squeeze %dma_wait3A_52 : memref<1x1x224x128xf32, #tpu.memory_space<hbm>> -> memref<224x128xf32, #tpu.memory_space<hbm>>
    %dma_wait3A_54 = tpu.memref_slice %arg8[%dma_wait3A_45] : memref<2x!tpu.dma_semaphore, #tpu.memory_space<semaphore_mem>> -> memref<1x!tpu.dma_semaphore, #tpu.memory_space<semaphore_mem>>
    %dma_wait3A_55 = tpu.memref_squeeze %dma_wait3A_54 : memref<1x!tpu.dma_semaphore, #tpu.memory_space<semaphore_mem>> -> memref<!tpu.dma_semaphore, #tpu.memory_space<semaphore_mem>>
    %dma_wait3A_56 = arith.constant 0 : i32
    %dma_wait3A_57 = arith.constant 0 : i32
    %dma_wait3A_58 = tpu.memref_slice %arg7[%dma_wait3A_44, %dma_wait3A_56, %dma_wait3A_57] : memref<2x224x128xf32, #tpu.memory_space<vmem>> -> memref<1x224x128xf32, #tpu.memory_space<vmem>>
    %dma_wait3A_59 = tpu.memref_squeeze %dma_wait3A_58 : memref<1x224x128xf32, #tpu.memory_space<vmem>> -> memref<224x128xf32, #tpu.memory_space<vmem>>
    %dma_wait3A_60 = arith.constant 0 : i32
    %dma_wait3A_61 = arith.constant 0 : i32
    %dma_wait3A_62 = tpu.memref_slice %arg4[%dma_wait3A_42, %dma_wait3A_43, %dma_wait3A_60, %dma_wait3A_61] : memref<4x224x224x128xf32, #tpu.memory_space<hbm>> -> memref<1x1x224x128xf32, #tpu.memory_space<hbm>>
    %dma_wait3A_63 = tpu.memref_squeeze %dma_wait3A_62 : memref<1x1x224x128xf32, #tpu.memory_space<hbm>> -> memref<224x128xf32, #tpu.memory_space<hbm>>
    tpu.wait_dma2 semaphore(%dma_wait3A_55 : memref<!tpu.dma_semaphore, #tpu.memory_space<semaphore_mem>>) src(%dma_wait3A_63 : memref<224x128xf32, #tpu.memory_space<hbm>>) dst(%dma_wait3A_59 : memref<224x128xf32, #tpu.memory_space<vmem>>)
    %dma_wait3A_64 = arith.constant 0 : i32
    %dma_wait3A_65 = arith.constant 0 : i32
    %dma_wait3A_66 = arith.constant 0 : i32
    %dma_wait3A_67 = arith.constant 1 : i32
    %dma_wait3A_68 = arith.constant 0 : i32
    %dma_wait3A_69 = arith.constant 0 : i32
    %dma_wait3A_70 = tpu.memref_slice %arg7[%dma_wait3A_66, %dma_wait3A_68, %dma_wait3A_69] : memref<2x224x128xf32, #tpu.memory_space<vmem>> -> memref<1x224x128xf32, #tpu.memory_space<vmem>>
    %dma_wait3A_71 = tpu.memref_squeeze %dma_wait3A_70 : memref<1x224x128xf32, #tpu.memory_space<vmem>> -> memref<224x128xf32, #tpu.memory_space<vmem>>
    %dma_wait3A_72 = arith.constant 0 : i32
    %dma_wait3A_73 = arith.constant 0 : i32
    %dma_wait3A_74 = tpu.memref_slice %arg4[%dma_wait3A_64, %dma_wait3A_65, %dma_wait3A_72, %dma_wait3A_73] : memref<4x224x224x128xf32, #tpu.memory_space<hbm>> -> memref<1x1x224x128xf32, #tpu.memory_space<hbm>>
    %dma_wait3A_75 = tpu.memref_squeeze %dma_wait3A_74 : memref<1x1x224x128xf32, #tpu.memory_space<hbm>> -> memref<224x128xf32, #tpu.memory_space<hbm>>
    %dma_wait3A_76 = tpu.memref_slice %arg8[%dma_wait3A_67] : memref<2x!tpu.dma_semaphore, #tpu.memory_space<semaphore_mem>> -> memref<1x!tpu.dma_semaphore, #tpu.memory_space<semaphore_mem>>
    %dma_wait3A_77 = tpu.memref_squeeze %dma_wait3A_76 : memref<1x!tpu.dma_semaphore, #tpu.memory_space<semaphore_mem>> -> memref<!tpu.dma_semaphore, #tpu.memory_space<semaphore_mem>>
    %dma_wait3A_78 = arith.constant 0 : i32
    %dma_wait3A_79 = arith.constant 0 : i32
    %dma_wait3A_80 = tpu.memref_slice %arg7[%dma_wait3A_66, %dma_wait3A_78, %dma_wait3A_79] : memref<2x224x128xf32, #tpu.memory_space<vmem>> -> memref<1x224x128xf32, #tpu.memory_space<vmem>>
    %dma_wait3A_81 = tpu.memref_squeeze %dma_wait3A_80 : memref<1x224x128xf32, #tpu.memory_space<vmem>> -> memref<224x128xf32, #tpu.memory_space<vmem>>
    %dma_wait3A_82 = arith.constant 0 : i32
    %dma_wait3A_83 = arith.constant 0 : i32
    %dma_wait3A_84 = tpu.memref_slice %arg4[%dma_wait3A_64, %dma_wait3A_65, %dma_wait3A_82, %dma_wait3A_83] : memref<4x224x224x128xf32, #tpu.memory_space<hbm>> -> memref<1x1x224x128xf32, #tpu.memory_space<hbm>>
    %dma_wait3A_85 = tpu.memref_squeeze %dma_wait3A_84 : memref<1x1x224x128xf32, #tpu.memory_space<hbm>> -> memref<224x128xf32, #tpu.memory_space<hbm>>
    tpu.wait_dma2 semaphore(%dma_wait3A_77 : memref<!tpu.dma_semaphore, #tpu.memory_space<semaphore_mem>>) src(%dma_wait3A_85 : memref<224x128xf32, #tpu.memory_space<hbm>>) dst(%dma_wait3A_81 : memref<224x128xf32, #tpu.memory_space<vmem>>)
    %dma_wait3A_86 = arith.constant 0 : i32
    %dma_wait3A_87 = arith.constant 0 : i32
    %dma_wait3A_88 = arith.constant 0 : i32
    %dma_wait3A_89 = arith.constant 1 : i32
    %dma_wait3A_90 = arith.constant 0 : i32
    %dma_wait3A_91 = arith.constant 0 : i32
    %dma_wait3A_92 = tpu.memref_slice %arg7[%dma_wait3A_88, %dma_wait3A_90, %dma_wait3A_91] : memref<2x224x128xf32, #tpu.memory_space<vmem>> -> memref<1x224x128xf32, #tpu.memory_space<vmem>>
    %dma_wait3A_93 = tpu.memref_squeeze %dma_wait3A_92 : memref<1x224x128xf32, #tpu.memory_space<vmem>> -> memref<224x128xf32, #tpu.memory_space<vmem>>
    %dma_wait3A_94 = arith.constant 0 : i32
    %dma_wait3A_95 = arith.constant 0 : i32
    %dma_wait3A_96 = tpu.memref_slice %arg4[%dma_wait3A_86, %dma_wait3A_87, %dma_wait3A_94, %dma_wait3A_95] : memref<4x224x224x128xf32, #tpu.memory_space<hbm>> -> memref<1x1x224x128xf32, #tpu.memory_space<hbm>>
    %dma_wait3A_97 = tpu.memref_squeeze %dma_wait3A_96 : memref<1x1x224x128xf32, #tpu.memory_space<hbm>> -> memref<224x128xf32, #tpu.memory_space<hbm>>
    %dma_wait3A_98 = tpu.memref_slice %arg8[%dma_wait3A_89] : memref<2x!tpu.dma_semaphore, #tpu.memory_space<semaphore_mem>> -> memref<1x!tpu.dma_semaphore, #tpu.memory_space<semaphore_mem>>
    %dma_wait3A_99 = tpu.memref_squeeze %dma_wait3A_98 : memref<1x!tpu.dma_semaphore, #tpu.memory_space<semaphore_mem>> -> memref<!tpu.dma_semaphore, #tpu.memory_space<semaphore_mem>>
    %dma_wait3A_100 = arith.constant 0 : i32
    %dma_wait3A_101 = arith.constant 0 : i32
    %dma_wait3A_102 = tpu.memref_slice %arg7[%dma_wait3A_88, %dma_wait3A_100, %dma_wait3A_101] : memref<2x224x128xf32, #tpu.memory_space<vmem>> -> memref<1x224x128xf32, #tpu.memory_space<vmem>>
    %dma_wait3A_103 = tpu.memref_squeeze %dma_wait3A_102 : memref<1x224x128xf32, #tpu.memory_space<vmem>> -> memref<224x128xf32, #tpu.memory_space<vmem>>
    %dma_wait3A_104 = arith.constant 0 : i32
    %dma_wait3A_105 = arith.constant 0 : i32
    %dma_wait3A_106 = tpu.memref_slice %arg4[%dma_wait3A_86, %dma_wait3A_87, %dma_wait3A_104, %dma_wait3A_105] : memref<4x224x224x128xf32, #tpu.memory_space<hbm>> -> memref<1x1x224x128xf32, #tpu.memory_space<hbm>>
    %dma_wait3A_107 = tpu.memref_squeeze %dma_wait3A_106 : memref<1x1x224x128xf32, #tpu.memory_space<hbm>> -> memref<224x128xf32, #tpu.memory_space<hbm>>
    tpu.wait_dma2 semaphore(%dma_wait3A_99 : memref<!tpu.dma_semaphore, #tpu.memory_space<semaphore_mem>>) src(%dma_wait3A_107 : memref<224x128xf32, #tpu.memory_space<hbm>>) dst(%dma_wait3A_103 : memref<224x128xf32, #tpu.memory_space<vmem>>)
    %dma_wait3A_108 = arith.constant 0 : i32
    %dma_wait3A_109 = arith.constant 0 : i32
    %dma_wait3A_110 = arith.constant 0 : i32
    %dma_wait3A_111 = arith.constant 1 : i32
    %dma_wait3A_112 = arith.constant 0 : i32
    %dma_wait3A_113 = arith.constant 0 : i32
    %dma_wait3A_114 = tpu.memref_slice %arg7[%dma_wait3A_110, %dma_wait3A_112, %dma_wait3A_113] : memref<2x224x128xf32, #tpu.memory_space<vmem>> -> memref<1x224x128xf32, #tpu.memory_space<vmem>>
    %dma_wait3A_115 = tpu.memref_squeeze %dma_wait3A_114 : memref<1x224x128xf32, #tpu.memory_space<vmem>> -> memref<224x128xf32, #tpu.memory_space<vmem>>
    %dma_wait3A_116 = arith.constant 0 : i32
    %dma_wait3A_117 = arith.constant 0 : i32
    %dma_wait3A_118 = tpu.memref_slice %arg4[%dma_wait3A_108, %dma_wait3A_109, %dma_wait3A_116, %dma_wait3A_117] : memref<4x224x224x128xf32, #tpu.memory_space<hbm>> -> memref<1x1x224x128xf32, #tpu.memory_space<hbm>>
    %dma_wait3A_119 = tpu.memref_squeeze %dma_wait3A_118 : memref<1x1x224x128xf32, #tpu.memory_space<hbm>> -> memref<224x128xf32, #tpu.memory_space<hbm>>
    %dma_wait3A_120 = tpu.memref_slice %arg8[%dma_wait3A_111] : memref<2x!tpu.dma_semaphore, #tpu.memory_space<semaphore_mem>> -> memref<1x!tpu.dma_semaphore, #tpu.memory_space<semaphore_mem>>
    %dma_wait3A_121 = tpu.memref_squeeze %dma_wait3A_120 : memref<1x!tpu.dma_semaphore, #tpu.memory_space<semaphore_mem>> -> memref<!tpu.dma_semaphore, #tpu.memory_space<semaphore_mem>>
    %dma_wait3A_122 = arith.constant 0 : i32
    %dma_wait3A_123 = arith.constant 0 : i32
    %dma_wait3A_124 = tpu.memref_slice %arg7[%dma_wait3A_110, %dma_wait3A_122, %dma_wait3A_123] : memref<2x224x128xf32, #tpu.memory_space<vmem>> -> memref<1x224x128xf32, #tpu.memory_space<vmem>>
    %dma_wait3A_125 = tpu.memref_squeeze %dma_wait3A_124 : memref<1x224x128xf32, #tpu.memory_space<vmem>> -> memref<224x128xf32, #tpu.memory_space<vmem>>
    %dma_wait3A_126 = arith.constant 0 : i32
    %dma_wait3A_127 = arith.constant 0 : i32
    %dma_wait3A_128 = tpu.memref_slice %arg4[%dma_wait3A_108, %dma_wait3A_109, %dma_wait3A_126, %dma_wait3A_127] : memref<4x224x224x128xf32, #tpu.memory_space<hbm>> -> memref<1x1x224x128xf32, #tpu.memory_space<hbm>>
    %dma_wait3A_129 = tpu.memref_squeeze %dma_wait3A_128 : memref<1x1x224x128xf32, #tpu.memory_space<hbm>> -> memref<224x128xf32, #tpu.memory_space<hbm>>
    tpu.wait_dma2 semaphore(%dma_wait3A_121 : memref<!tpu.dma_semaphore, #tpu.memory_space<semaphore_mem>>) src(%dma_wait3A_129 : memref<224x128xf32, #tpu.memory_space<hbm>>) dst(%dma_wait3A_125 : memref<224x128xf32, #tpu.memory_space<vmem>>)
    %dma_wait3A_130 = arith.constant 0 : i32
    %dma_wait3A_131 = arith.constant 0 : i32
    %dma_wait3A_132 = arith.constant 0 : i32
    %dma_wait3A_133 = arith.constant 0 : i32
    %dma_wait3A_134 = arith.constant 0 : i32
    %dma_wait3A_135 = arith.constant 0 : i32
    %dma_wait3A_136 = tpu.memref_slice %arg7[%dma_wait3A_132, %dma_wait3A_134, %dma_wait3A_135] : memref<2x224x128xf32, #tpu.memory_space<vmem>> -> memref<1x224x128xf32, #tpu.memory_space<vmem>>
    %dma_wait3A_137 = tpu.memref_squeeze %dma_wait3A_136 : memref<1x224x128xf32, #tpu.memory_space<vmem>> -> memref<224x128xf32, #tpu.memory_space<vmem>>
    %dma_wait3A_138 = arith.constant 0 : i32
    %dma_wait3A_139 = arith.constant 0 : i32
    %dma_wait3A_140 = tpu.memref_slice %arg4[%dma_wait3A_130, %dma_wait3A_131, %dma_wait3A_138, %dma_wait3A_139] : memref<4x224x224x128xf32, #tpu.memory_space<hbm>> -> memref<1x1x224x128xf32, #tpu.memory_space<hbm>>
    %dma_wait3A_141 = tpu.memref_squeeze %dma_wait3A_140 : memref<1x1x224x128xf32, #tpu.memory_space<hbm>> -> memref<224x128xf32, #tpu.memory_space<hbm>>
    %dma_wait3A_142 = tpu.memref_slice %arg8[%dma_wait3A_133] : memref<2x!tpu.dma_semaphore, #tpu.memory_space<semaphore_mem>> -> memref<1x!tpu.dma_semaphore, #tpu.memory_space<semaphore_mem>>
    %dma_wait3A_143 = tpu.memref_squeeze %dma_wait3A_142 : memref<1x!tpu.dma_semaphore, #tpu.memory_space<semaphore_mem>> -> memref<!tpu.dma_semaphore, #tpu.memory_space<semaphore_mem>>
    %dma_wait3A_144 = arith.constant 0 : i32
    %dma_wait3A_145 = arith.constant 0 : i32
    %dma_wait3A_146 = tpu.memref_slice %arg7[%dma_wait3A_132, %dma_wait3A_144, %dma_wait3A_145] : memref<2x224x128xf32, #tpu.memory_space<vmem>> -> memref<1x224x128xf32, #tpu.memory_space<vmem>>
    %dma_wait3A_147 = tpu.memref_squeeze %dma_wait3A_146 : memref<1x224x128xf32, #tpu.memory_space<vmem>> -> memref<224x128xf32, #tpu.memory_space<vmem>>
    %dma_wait3A_148 = arith.constant 0 : i32
    %dma_wait3A_149 = arith.constant 0 : i32
    %dma_wait3A_150 = tpu.memref_slice %arg4[%dma_wait3A_130, %dma_wait3A_131, %dma_wait3A_148, %dma_wait3A_149] : memref<4x224x224x128xf32, #tpu.memory_space<hbm>> -> memref<1x1x224x128xf32, #tpu.memory_space<hbm>>
    %dma_wait3A_151 = tpu.memref_squeeze %dma_wait3A_150 : memref<1x1x224x128xf32, #tpu.memory_space<hbm>> -> memref<224x128xf32, #tpu.memory_space<hbm>>
    tpu.wait_dma2 semaphore(%dma_wait3A_143 : memref<!tpu.dma_semaphore, #tpu.memory_space<semaphore_mem>>) src(%dma_wait3A_151 : memref<224x128xf32, #tpu.memory_space<hbm>>) dst(%dma_wait3A_147 : memref<224x128xf32, #tpu.memory_space<vmem>>)
    %dma_wait3A_152 = arith.constant 0 : i32
    %dma_wait3A_153 = arith.constant 0 : i32
    %dma_wait3A_154 = arith.constant 0 : i32
    %dma_wait3A_155 = arith.constant 0 : i32
    %dma_wait3A_156 = arith.constant 0 : i32
    %dma_wait3A_157 = arith.constant 0 : i32
    %dma_wait3A_158 = tpu.memref_slice %arg7[%dma_wait3A_154, %dma_wait3A_156, %dma_wait3A_157] : memref<2x224x128xf32, #tpu.memory_space<vmem>> -> memref<1x224x128xf32, #tpu.memory_space<vmem>>
    %dma_wait3A_159 = tpu.memref_squeeze %dma_wait3A_158 : memref<1x224x128xf32, #tpu.memory_space<vmem>> -> memref<224x128xf32, #tpu.memory_space<vmem>>
    %dma_wait3A_160 = arith.constant 0 : i32
    %dma_wait3A_161 = arith.constant 0 : i32
    %dma_wait3A_162 = tpu.memref_slice %arg4[%dma_wait3A_152, %dma_wait3A_153, %dma_wait3A_160, %dma_wait3A_161] : memref<4x224x224x128xf32, #tpu.memory_space<hbm>> -> memref<1x1x224x128xf32, #tpu.memory_space<hbm>>
    %dma_wait3A_163 = tpu.memref_squeeze %dma_wait3A_162 : memref<1x1x224x128xf32, #tpu.memory_space<hbm>> -> memref<224x128xf32, #tpu.memory_space<hbm>>
    %dma_wait3A_164 = tpu.memref_slice %arg8[%dma_wait3A_155] : memref<2x!tpu.dma_semaphore, #tpu.memory_space<semaphore_mem>> -> memref<1x!tpu.dma_semaphore, #tpu.memory_space<semaphore_mem>>
    %dma_wait3A_165 = tpu.memref_squeeze %dma_wait3A_164 : memref<1x!tpu.dma_semaphore, #tpu.memory_space<semaphore_mem>> -> memref<!tpu.dma_semaphore, #tpu.memory_space<semaphore_mem>>
    %dma_wait3A_166 = arith.constant 0 : i32
    %dma_wait3A_167 = arith.constant 0 : i32
    %dma_wait3A_168 = tpu.memref_slice %arg7[%dma_wait3A_154, %dma_wait3A_166, %dma_wait3A_167] : memref<2x224x128xf32, #tpu.memory_space<vmem>> -> memref<1x224x128xf32, #tpu.memory_space<vmem>>
    %dma_wait3A_169 = tpu.memref_squeeze %dma_wait3A_168 : memref<1x224x128xf32, #tpu.memory_space<vmem>> -> memref<224x128xf32, #tpu.memory_space<vmem>>
    %dma_wait3A_170 = arith.constant 0 : i32
    %dma_wait3A_171 = arith.constant 0 : i32
    %dma_wait3A_172 = tpu.memref_slice %arg4[%dma_wait3A_152, %dma_wait3A_153, %dma_wait3A_170, %dma_wait3A_171] : memref<4x224x224x128xf32, #tpu.memory_space<hbm>> -> memref<1x1x224x128xf32, #tpu.memory_space<hbm>>
    %dma_wait3A_173 = tpu.memref_squeeze %dma_wait3A_172 : memref<1x1x224x128xf32, #tpu.memory_space<hbm>> -> memref<224x128xf32, #tpu.memory_space<hbm>>
    tpu.wait_dma2 semaphore(%dma_wait3A_165 : memref<!tpu.dma_semaphore, #tpu.memory_space<semaphore_mem>>) src(%dma_wait3A_173 : memref<224x128xf32, #tpu.memory_space<hbm>>) dst(%dma_wait3A_169 : memref<224x128xf32, #tpu.memory_space<vmem>>)
    %dma_wait3A_174 = arith.constant 0 : i32
    %dma_wait3A_175 = arith.constant 0 : i32
    %dma_wait3A_176 = arith.constant 0 : i32
    %dma_wait3A_177 = arith.constant 0 : i32
    %dma_wait3A_178 = arith.constant 0 : i32
    %dma_wait3A_179 = arith.constant 0 : i32
    %dma_wait3A_180 = tpu.memref_slice %arg7[%dma_wait3A_176, %dma_wait3A_178, %dma_wait3A_179] : memref<2x224x128xf32, #tpu.memory_space<vmem>> -> memref<1x224x128xf32, #tpu.memory_space<vmem>>
    %dma_wait3A_181 = tpu.memref_squeeze %dma_wait3A_180 : memref<1x224x128xf32, #tpu.memory_space<vmem>> -> memref<224x128xf32, #tpu.memory_space<vmem>>
    %dma_wait3A_182 = arith.constant 0 : i32
    %dma_wait3A_183 = arith.constant 0 : i32
    %dma_wait3A_184 = tpu.memref_slice %arg4[%dma_wait3A_174, %dma_wait3A_175, %dma_wait3A_182, %dma_wait3A_183] : memref<4x224x224x128xf32, #tpu.memory_space<hbm>> -> memref<1x1x224x128xf32, #tpu.memory_space<hbm>>
    %dma_wait3A_185 = tpu.memref_squeeze %dma_wait3A_184 : memref<1x1x224x128xf32, #tpu.memory_space<hbm>> -> memref<224x128xf32, #tpu.memory_space<hbm>>
    %dma_wait3A_186 = tpu.memref_slice %arg8[%dma_wait3A_177] : memref<2x!tpu.dma_semaphore, #tpu.memory_space<semaphore_mem>> -> memref<1x!tpu.dma_semaphore, #tpu.memory_space<semaphore_mem>>
    %dma_wait3A_187 = tpu.memref_squeeze %dma_wait3A_186 : memref<1x!tpu.dma_semaphore, #tpu.memory_space<semaphore_mem>> -> memref<!tpu.dma_semaphore, #tpu.memory_space<semaphore_mem>>
    %dma_wait3A_188 = arith.constant 0 : i32
    %dma_wait3A_189 = arith.constant 0 : i32
    %dma_wait3A_190 = tpu.memref_slice %arg7[%dma_wait3A_176, %dma_wait3A_188, %dma_wait3A_189] : memref<2x224x128xf32, #tpu.memory_space<vmem>> -> memref<1x224x128xf32, #tpu.memory_space<vmem>>
    %dma_wait3A_191 = tpu.memref_squeeze %dma_wait3A_190 : memref<1x224x128xf32, #tpu.memory_space<vmem>> -> memref<224x128xf32, #tpu.memory_space<vmem>>
    %dma_wait3A_192 = arith.constant 0 : i32
    %dma_wait3A_193 = arith.constant 0 : i32
    %dma_wait3A_194 = tpu.memref_slice %arg4[%dma_wait3A_174, %dma_wait3A_175, %dma_wait3A_192, %dma_wait3A_193] : memref<4x224x224x128xf32, #tpu.memory_space<hbm>> -> memref<1x1x224x128xf32, #tpu.memory_space<hbm>>
    %dma_wait3A_195 = tpu.memref_squeeze %dma_wait3A_194 : memref<1x1x224x128xf32, #tpu.memory_space<hbm>> -> memref<224x128xf32, #tpu.memory_space<hbm>>
    tpu.wait_dma2 semaphore(%dma_wait3A_187 : memref<!tpu.dma_semaphore, #tpu.memory_space<semaphore_mem>>) src(%dma_wait3A_195 : memref<224x128xf32, #tpu.memory_space<hbm>>) dst(%dma_wait3A_191 : memref<224x128xf32, #tpu.memory_space<vmem>>)
    %dma_wait3A_196 = arith.constant 0 : i32
    %dma_wait3A_197 = arith.constant 0 : i32
    %dma_wait3A_198 = arith.constant 0 : i32
    %dma_wait3A_199 = arith.constant 0 : i32
    %dma_wait3A_200 = arith.constant 0 : i32
    %dma_wait3A_201 = arith.constant 0 : i32
    %dma_wait3A_202 = tpu.memref_slice %arg7[%dma_wait3A_198, %dma_wait3A_200, %dma_wait3A_201] : memref<2x224x128xf32, #tpu.memory_space<vmem>> -> memref<1x224x128xf32, #tpu.memory_space<vmem>>
    %dma_wait3A_203 = tpu.memref_squeeze %dma_wait3A_202 : memref<1x224x128xf32, #tpu.memory_space<vmem>> -> memref<224x128xf32, #tpu.memory_space<vmem>>
    %dma_wait3A_204 = arith.constant 0 : i32
    %dma_wait3A_205 = arith.constant 0 : i32
    %dma_wait3A_206 = tpu.memref_slice %arg4[%dma_wait3A_196, %dma_wait3A_197, %dma_wait3A_204, %dma_wait3A_205] : memref<4x224x224x128xf32, #tpu.memory_space<hbm>> -> memref<1x1x224x128xf32, #tpu.memory_space<hbm>>
    %dma_wait3A_207 = tpu.memref_squeeze %dma_wait3A_206 : memref<1x1x224x128xf32, #tpu.memory_space<hbm>> -> memref<224x128xf32, #tpu.memory_space<hbm>>
    %dma_wait3A_208 = tpu.memref_slice %arg8[%dma_wait3A_199] : memref<2x!tpu.dma_semaphore, #tpu.memory_space<semaphore_mem>> -> memref<1x!tpu.dma_semaphore, #tpu.memory_space<semaphore_mem>>
    %dma_wait3A_209 = tpu.memref_squeeze %dma_wait3A_208 : memref<1x!tpu.dma_semaphore, #tpu.memory_space<semaphore_mem>> -> memref<!tpu.dma_semaphore, #tpu.memory_space<semaphore_mem>>
    %dma_wait3A_210 = arith.constant 0 : i32
    %dma_wait3A_211 = arith.constant 0 : i32
    %dma_wait3A_212 = tpu.memref_slice %arg7[%dma_wait3A_198, %dma_wait3A_210, %dma_wait3A_211] : memref<2x224x128xf32, #tpu.memory_space<vmem>> -> memref<1x224x128xf32, #tpu.memory_space<vmem>>
    %dma_wait3A_213 = tpu.memref_squeeze %dma_wait3A_212 : memref<1x224x128xf32, #tpu.memory_space<vmem>> -> memref<224x128xf32, #tpu.memory_space<vmem>>
    %dma_wait3A_214 = arith.constant 0 : i32
    %dma_wait3A_215 = arith.constant 0 : i32
    %dma_wait3A_216 = tpu.memref_slice %arg4[%dma_wait3A_196, %dma_wait3A_197, %dma_wait3A_214, %dma_wait3A_215] : memref<4x224x224x128xf32, #tpu.memory_space<hbm>> -> memref<1x1x224x128xf32, #tpu.memory_space<hbm>>
    %dma_wait3A_217 = tpu.memref_squeeze %dma_wait3A_216 : memref<1x1x224x128xf32, #tpu.memory_space<hbm>> -> memref<224x128xf32, #tpu.memory_space<hbm>>
    tpu.wait_dma2 semaphore(%dma_wait3A_209 : memref<!tpu.dma_semaphore, #tpu.memory_space<semaphore_mem>>) src(%dma_wait3A_217 : memref<224x128xf32, #tpu.memory_space<hbm>>) dst(%dma_wait3A_213 : memref<224x128xf32, #tpu.memory_space<vmem>>)
    return
  }
}

</mosaic_0001>

<sc_bundles>
// kernel: kernel.3.cloned.1.call-start
scs
__scs_entry_jumppad:
0x0: {  	(pc) =	sbr.rel $0x88, $3  }
0x1: {  	(tag) =	ssettag $0x0;
	lr =	simm.s32 $0x1  }
0x2: {  	[smem:$0x3F9F] =	sst lr;
	_ =	strace $0xD0000000  }
0x3: {  	_ = 	snop  }
0x4: {  	_ = 	snop  }
0x5: {  	_ = 	snop  }
0x6: {  	_ = 	snop  }
0x7: {  	_ = 	snop  }
__scs_overlays_trampoline_lowered:
0x8: {  	[smem:$0x3FAE] =	sst s0  }
0x9: {  	[smem:$0x3FAF] =	sst s1  }
0xa: {  	[smem:$0x3FB0] =	sst s2  }
0xb: {  	[smem:$0x3FB1] =	sst s3  }
0xc: {  	[smem:$0x3FB2] =	sst s4  }
0xd: {  	[smem:$0x3FB3] =	sst s5  }
0xe: {  	[smem:$0x3FB4] =	sst s6  }
0xf: {  	[smem:$0x3FB5] =	sst s7  }
0x10: {  	[smem:$0x3FB6] =	sst s8  }
0x11: {  	[smem:$0x3FB7] =	sst s9;
	s0 =	simm.s32 @!p0 $0x0  }
0x12: {  	s1 =	sld [smem:$0x3F9D];
	s0 =	simm.s32 @p0 $0x1  }
0x13: {  	[smem:$0x3FB8] =	sst s0;
	s0 =	simm.s32 @!p1 $0x0  }
0x14: {  	s2 =	sld [smem:$0x3F9C];
	s0 =	simm.s32 @p1 $0x1  }
0x15: {  	[smem:$0x3FB9] =	sst s0;
	s0 =	simm.s32 @!p2 $0x0  }
0x16: {  	s3 =	sld [smem:$0x3FDB];
	s0 =	simm.s32 @p2 $0x1  }
0x17: {  	s4 =	simm.s32 $0x1BF5;
	[smem:$0x3FBB] =	sst s0  }
0x18: {  	s0 =	sld [smem:$0x3F9E];
	_ =	swait.ge [sflag:s4], $0x0  }
0x19: {  	s7 =	sld [smem:$0x3F9F]  }
0x1a: {  	s8 =	sadd.s32 $0xFFFFE003, lr  }
0x1b: {  	s9 =	sadd.s32 $0xFFFFFEF7, lr;
	s5 =	simm.s32 $0xFFFFFFFF;
	p2 =	slt.u32 s8, $0xFFFFF086  }
0x1c: {  	p1 =	slt.u32 s9, $0xF7A;
	s5 =	simm.s32 @!p2 $0x0  }
0x1d: {  	s5 =	simm.s32 @p1 $0x1;
	p0 =	seq.s32 s7, s2  }
0x1e: {  	s7 =	smul.u32 @!p0 $0xF7A, s2;
	p2 =	seq.s32 @!p0 s5, $0x0  }
0x1f: {  	s9 =	smul.u32 $0xF7A, s1;
	s8 =	simm.s32 @!p0 $0x1BF5;
	p2 =	por !p2, p0  }
0x20: {  	[sflag:s8] =	ssyncset.s32 @!p0 $0xFFFFF086;
	s6 =	sadd.s32 @!p0 s3, s7;
	s7 =	simm.s32 @!p0 $0x108  }
0x21: {  	s3 =	sadd.s32 s3, s9;
	s6 =	sadd.s32 @!p0 $0x88, s6;
	s7 =	simm.s32 @p2 $0x1082  }
0x22: {  	[simem:s7], [sflag:s8] =	dma.local @!p0 [hbm:s6], $0xF7A  }
0x23: {  	s9 =	sor.u32 $0xD0000000, s2;
	s6 =	simm.s32 $0x108;
	_ =	swait.ge @!p0 [sflag:s8], $0x0  }
0x24: {  	s3 =	sadd.s32 $0x88, s3;
	s6 =	simm.s32 @!p1 $0x1082;
	[sflag:s4] =	ssyncset.s32 $0xFFFFF086  }
0x25: {  	[simem:s6], [sflag:s4] =	dma.local [hbm:s3], $0xF7A  }
0x26: {  	[smem:$0x3F9F] =	sst s1;
	(tag) =	ssettag s2;
	_ =	strace s9  }
0x27: {  	s1 =	sld [smem:$0x3FAF]  }
0x28: {  	s2 =	sld [smem:$0x3FB0]  }
0x29: {  	s4 =	sld [smem:$0x3FB2]  }
0x2a: {  	p0 =	seq.s32 s5, $0x0;
	s5 =	sld [smem:$0x3FB3]  }
0x2b: {  	s6 =	sld [smem:$0x3FB4]  }
0x2c: {  	s7 =	sld [smem:$0x3FB5]  }
0x2d: {  	s3 =	simm.s32 $0x108;
	s8 =	sld [smem:$0x3FB6]  }
0x2e: {  	s3 =	simm.s32 @!p0 $0x1082;
	s9 =	sld [smem:$0x3FB7]  }
0x2f: {  	lr =	sadd.s32 s0, s3;
	s0 =	sld [smem:$0x3FAE]  }
0x30: {  	s3 =	sld [smem:$0x3FB1]  }
0x31: {  	[smem:$0x3FBA] =	sst s10  }
0x32: {  	s10 =	sld [smem:$0x3FB8];
	_ =	sdelay $0x3  }
0x33: {  	p0 =	seq.s32 s10, $0x1;
	s10 =	sld [smem:$0x3FBA];
	_ =	sdelay $0x3  }
0x34: {  	[smem:$0x3FBA] =	sst s10  }
0x35: {  	s10 =	sld [smem:$0x3FB9];
	_ =	sdelay $0x3  }
0x36: {  	p1 =	seq.s32 s10, $0x1;
	s10 =	sld [smem:$0x3FBA];
	_ =	sdelay $0x3  }
0x37: {  	[smem:$0x3FBA] =	sst s10  }
0x38: {  	s10 =	sld [smem:$0x3FBB]  }
0x39: {  	_ = 	snop;
	(pc) =	sbr.ind lr, $3  }
0x3a: {  	_ = 	snop  }
0x3b: {  	_ = 	snop  }
0x3c: {  	p2 =	seq.s32 s10, $0x1;
	s10 =	sld [smem:$0x3FBA]  }
0x3d: {  	_ =	shalt  }
0x3e: {  	_ =	shalt  }
0x3f: {  	_ =	shalt  }
0x40: {  	_ =	shalt  }
0x41: {  	_ =	shalt  }
0x42: {  	_ =	shalt  }
0x43: {  	_ =	shalt  }
0x44: {  	_ =	shalt  }
0x45: {  	_ =	shalt  }
0x46: {  	_ =	shalt  }
0x47: {  	_ =	shalt  }
0x48: {  	_ =	shalt  }
0x49: {  	_ =	shalt  }
0x4a: {  	_ =	shalt  }
0x4b: {  	_ =	shalt  }
0x4c: {  	_ =	shalt  }
0x4d: {  	_ =	shalt  }
0x4e: {  	_ =	shalt  }
0x4f: {  	_ =	shalt  }
0x50: {  	_ =	shalt  }
0x51: {  	_ =	shalt  }
0x52: {  	_ =	shalt  }
0x53: {  	_ =	shalt  }
0x54: {  	_ =	shalt  }
0x55: {  	_ =	shalt  }
0x56: {  	_ =	shalt  }
0x57: {  	_ =	shalt  }
0x58: {  	_ =	shalt  }
0x59: {  	_ =	shalt  }
0x5a: {  	_ =	shalt  }
0x5b: {  	_ =	shalt  }
0x5c: {  	_ =	shalt  }
0x5d: {  	_ =	shalt  }
0x5e: {  	_ =	shalt  }
0x5f: {  	_ =	shalt  }
0x60: {  	_ =	shalt  }
0x61: {  	_ =	shalt  }
0x62: {  	_ =	shalt  }
0x63: {  	_ =	shalt  }
0x64: {  	_ =	shalt  }
0x65: {  	_ =	shalt  }
0x66: {  	_ =	shalt  }
0x67: {  	_ =	shalt  }
0x68: {  	_ =	shalt  }
0x69: {  	_ =	shalt  }
0x6a: {  	_ =	shalt  }
0x6b: {  	_ =	shalt  }
0x6c: {  	_ =	shalt  }
0x6d: {  	_ =	shalt  }
0x6e: {  	_ =	shalt  }
0x6f: {  	_ =	shalt  }
0x70: {  	_ =	shalt  }
0x71: {  	_ =	shalt  }
0x72: {  	_ =	shalt  }
0x73: {  	_ =	shalt  }
0x74: {  	_ =	shalt  }
0x75: {  	_ =	shalt  }
0x76: {  	_ =	shalt  }
0x77: {  	_ =	shalt  }
0x78: {  	_ =	shalt  }
0x79: {  	_ =	shalt  }
0x7a: {  	_ =	shalt  }
0x7b: {  	_ =	shalt  }
0x7c: {  	_ =	shalt  }
0x7d: {  	_ =	shalt  }
0x7e: {  	_ =	shalt  }
0x7f: {  	_ =	shalt  }
0x80: {  	_ =	shalt  }
0x81: {  	_ =	shalt  }
0x82: {  	_ =	shalt  }
0x83: {  	_ =	shalt  }
0x84: {  	_ =	shalt  }
0x85: {  	_ =	shalt  }
0x86: {  	_ =	shalt  }
0x87: {  	_ =	shalt  }
.Lfunc_end0:
.L_simem_size_0:
called_computation_lowered:
.L_overlay_start_0:
0x88: {  	s2 =	sld [smem:$0x3FD9]  }
0x89: {  	s3 =	sld [smem:$0x3FFE];
	_ =	sdelay $0x1  }
0x8a: {  	s1 =	srdreg.scid  }
0x8b: {  	s0 =	sand.u32 $0x1, s1  }
0x8c: {  	s18 =	sshll.u32 s0, $0xA;
	s2 =	sadd.s32 s3, s2  }
0x8d: {  	s2 =	sadd.s32 s2, s18  }
0x8e: {  	[smem:$0x3FC6] =	sst s2  }
0x8f: {  	_ = 	snop  }
0x90: {  	s2 =	sld [smem:$0x3FC9]  }
0x91: {  	s19 =	sld [smem:$0x3FC8]  }
0x92: {  	s4 =	sld [smem:$0x3FD0];
	(tm) =	ssettm $0x1  }
0x93: {  	s5 =	sld [smem:$0x3FFB];
	_ =	sdelay $0x3  }
0x94: {  	_ =	strace s5  }
0x95: {  	s5 =	sld [smem:$0x3FFC];
	_ =	sdelay $0x3  }
0x96: {  	_ =	strace s5  }
0x97: {  	s5 =	sld [smem:$0x3FFD];
	_ =	sdelay $0x3  }
0x98: {  	_ =	strace s5  }
0x99: {  	_ =	strace $0x8FFFFFFF  }
0x9a: {  	s20 =	sld [smem:$0x3FDB];
	_ =	sdelay $0x1  }
0x9b: {  	s6 =	simm.s32 $_scs_section_size  }
0x9c: {  	s7 =	simm.s32 $_size__tile_overlayer_lowered;
	s8 =	simm.s32 $_tile_overlayer_lowered  }
0x9d: {  	s23 =	simm.s32 $0x1BFF;
	s22 =	sshll.u32 s8, $0x1;
	s5 =	sadd.s32 s6, s20  }
0x9e: {  	s9 =	simm.s32 $0x0;
	s21 =	sshll.u32 s7, $0x1;
	s7 =	sadd.s32 s22, s5  }
0x9f: {  	[timem:s9], [sflag:s23] =	dma.local [hbm:s7], s21  }
0xa0: {  	_ =	swait.ge [sflag:s23], s21  }
0xa1: {  	s6 =	ssub.s32 $0x0, s21;
	[sflag:s23] =	ssyncset.done $0x0  }
0xa2: {  	[sflag:s23] =	ssyncadd.s32 s6;
	_ =	sdelay $0x1  }
0xa3: {  	s24 =	simm.s32 $0x1B8B  }
0xa4: {  	_ =	swait.ge [sflag:s24], $0x1  }
0xa5: {  	[sflag:s24] =	ssyncset.done $0x0  }
0xa6: {  	s25 =	simm.s32 $0x1B8E;
	[sflag:s24] =	ssyncadd.s32 $0xFFFFFFFF  }
0xa7: {  	s26 =	simm.s32 $execute0_lowered;
	[smem:$0x3FD2] =	sst s25  }
0xa8: {  	s6 =	sshll.u32 s26, $0x1;
	_ =	strace $0x80000046;
	[dreg:$0x1] =	wrdreg $0xFFFFFFFF  }
0xa9: {  	s28 =	simm.s32 $_size_execute0_lowered;
	s5 =	sadd.s32 s5, s6;
	[dreg:$0x0] =	wrdreg $0x0  }
0xaa: {  	s6 =	sshll.u32 s28, $0x1;
	[dreg:$0x2] =	wrdreg s5  }
0xab: {  	[dreg:$0x3] =	wrdreg s6  }
0xac: {  	[dreg:$0x4] =	wrdreg $0xC0  }
0xad: {  	_ =	task [dreg:s9], $0x5FFFF  }
0xae: {  	[dreg:$0x1] =	wrdreg $0xFFFFFFFF  }
0xaf: {  	[dreg:$0x0] =	wrdreg $0x60  }
0xb0: {  	[dreg:$0x2] =	wrdreg s2  }
0xb1: {  	[dreg:$0x3] =	wrdreg s19  }
0xb2: {  	[dreg:$0x4] =	wrdreg s4  }
0xb3: {  	[dreg:$0x5] =	wrdreg $0x9  }
0xb4: {  	_ =	task.clear_ibuf [dreg:s9], $0x6FFFF;
	_ =	strace $0x90000046  }
0xb5: {  	s29 =	simm.s32 $0x9;
	_ =	strace $0x80000048  }
0xb6: {  	_ =	swait.ge [sflag:s29], $0x1  }
0xb7: {  	[sflag:s29] =	ssyncadd.s32 $0xFFFFFFFF  }
0xb8: {  	_ =	strace $0x90000048  }
0xb9: {  	_ =	sfence  }
0xba: {  	s30 =	sld [smem:$0x0];
	_ =	sdelay $0x2  }
0xbb: {  	s31 =	sshll.u32 s1, $0xD;
	s1 =	sshrl.u32 s1, $0x2  }
0xbc: {  	s3 =	sand.u32 $0x4000, s31;
	s1 =	sadd.s32 s1, s30  }
0xbd: {  	s0 =	sor.u32 s3, s0;
	s1 =	sshll.u32 s1, $0x11  }
0xbe: {  	s0 =	sor.u32 s1, s0  }
0xbf: {  	s0 =	sadd.s32 $0x8F2B, s0  }
0xc0: {  	[sflag:s0] =	ssyncadd.remote.s32 $0x1  }
0xc1: {  	_ =	sfence.sel $0xFFFF  }
0xc2: {  	[dreg:$0x0] =	wrdreg $0xFFFFFFFF;
	(pc) =	sbr.abs _section_cstart, $3  }
0xc3: {  	[dreg:$0x1] =	wrdreg $0xFFFFFFFF  }
0xc4: {  	_ =	task.clear_ibuf [dreg:s9], $0x2FFFF;
	_ =	strace $0x9FFFFFFF  }
0xc5: {  	(tm) =	ssettm $0x7FFFFFFF  }
tec
execute0_lowered:
.L_overlay_start_1:
0x0: {  	(tag) =	ssettag $0x1  }
0x1: {  	s1 =	rddreg [dreg:$0x0]  }
0x2: {  	s2 =	rddreg [dreg:$0x1]  }
0x3: {  	s3 =	rddreg [dreg:$0x2];
	s4 =	srdreg.scid  }
0x4: {  	s0 =	rddreg [dreg:$0x3];
	s5 =	simm.s32 $0x0;
	s10 =	simm.s32 $0x2  }
0x5: {  	s11 =	simm.s32 $0x0;
	s19 =	simm.s32 $0x100;
	s6 =	sand.u32 $0x1, s4  }
0x6: {  	s4 =	stileid.u32;
	[smem:$0x7FF] =	sst s5;
	s7 =	ssub.s32 $0x2, s6  }
0x7: {  	s9 =	sshll.u32 s4, $0x1;
	_ =	strace $0x80000047;
	s8 =	sshrl.u32 s7, $0x1  }
0x8: {  	s6 =	sor.u32 s6, s9;
	s9 =	simm.s32 $0x1;
	s7 =	ssub.s32 s7, s8  }
0x9: {  	s6 =	smul.u32 $0x7, s6;
	s8 =	simm.s32 $0x7000;
	s7 =	smax.u32 s7, $0x1  }
.LBB2_1:
0xa: {  	[tilespmem:s5], [sflag:$0x1] =	stream.linear.gather [hbm4b:s2+s5], $0x7000, $0x38;
	[tilespmem:$0x1C000] =	vst v63  }
0xb: {  	_ = 	snop  }
0xc: {  	[tilespmem:s8], [sflag:$0x1] =	stream.linear.gather [hbm4b:s1+s5], $0x7000, $0x38;
	[tilespmem:$0x1C000] =	vst v63  }
0xd: {  	_ =	swait.ge [sflag:s9], $0x7000  }
0xe: {  	[sflag:s9] =	ssyncset.done $0x0  }
0xf: {  	[sflag:s9] =	ssyncadd.s32 $0xFFFF9000  }
0x10: {  	_ =	swait.ge [sflag:s9], $0x7000  }
0x11: {  	[sflag:s9] =	ssyncset.done $0x0  }
0x12: {  	p0 =	por $0x0, $0x0;
	s12 =	simm.s32 $0x0;
	[sflag:s9] =	ssyncadd.s32 $0xFFFF9000  }
.LBB2_2:
0x13: {  	s13 =	sand.u32 $0x1, s12;
	p1 =	slt.u32 s12, $0x2  }
0x14: {  	s15 =	sadd.s32 @!p1 $0x1, s13  }
0x15: {  	_ =	swait.ge @!p1 [sflag:s15], $0x7000  }
0x16: {  	[sflag:s15] =	ssyncset.done @!p1 $0x0  }
0x17: {  	[sflag:s15] =	ssyncadd.s32 @!p1 $0xFFFF9000  }
0x18: {  	_ =	swait.ge @!p1 [sflag:s15], $0x7000  }
0x19: {  	[sflag:s15] =	ssyncset.done @!p1 $0x0  }
0x1a: {  	[sflag:s15] =	ssyncadd.s32 @!p1 $0xFFFF9000  }
0x1b: {  	_ =	swait.ge @!p1 [sflag:s15], $0x7000  }
0x1c: {  	[sflag:s15] =	ssyncset.done @!p1 $0x0  }
0x1d: {  	[sflag:s15] =	ssyncadd.s32 @!p1 $0xFFFF9000  }
0x1e: {  	s14 =	sadd.s32 s6, s12;
	_ =	swait.ge @!p1 [sflag:s15], $0x7000  }
0x1f: {  	s16 =	sshll.u32 s14, $0x7;
	[sflag:s15] =	ssyncset.done @!p1 $0x0  }
0x20: {  	s30 =	sand.u32 $0x3FFFFF80, s16;
	[sflag:s15] =	ssyncadd.s32 @!p1 $0xFFFF9000  }
0x21: {  	v4 =	vld [tilespmem:s30+$0x7000]  }
0x22: {  	v6 =	vld [tilespmem:s30+$0x7010]  }
0x23: {  	v7 =	vld [tilespmem:s30+$0x7020]  }
0x24: {  	v5 =	vld [tilespmem:s30+$0x7030]  }
0x25: {  	v8 =	vld [tilespmem:s19+$0x80]  }
0x26: {  	s16 =	simm.s32 $0x1;
	v3 =	vld [tilespmem:s30+$0x7040]  }
0x27: {  	s16 =	simm.s32 @!p0 $0x0;
	v2 =	vld [tilespmem:s30+$0x7050]  }
0x28: {  	s16 =	smul.u32 $0x1C000, s16;
	v1 =	vld [tilespmem:s30+$0x7060]  }
0x29: {  	v9 =	vld [tilespmem:s19+$0xFFFFFF00]  }
0x2a: {  	s31 =	sshrl.u32 s16, $0x2;
	v10 =	vld [tilespmem:s19+$0xFFFFFF80];
	v8 =	vadd.f32 v8, v4  }
0x2b: {  	s15 =	sadd.s32 $0xE100, s31;
	v11 =	vld [tilespmem:s19+$0x0]  }
0x2c: {  	v0 =	vld [tilespmem:s30+$0x7070];
	[tilespmem:s15+$0x80] =	vst v8  }
0x2d: {  	v8 =	vld [tilespmem:s19+$0x90]  }
0x2e: {  	v9 =	vadd.f32 v9, v4  }
0x2f: {  	v10 =	vadd.f32 v10, v4  }
0x30: {  	v11 =	vadd.f32 v11, v4;
	[tilespmem:s15+$0xFFFFFF00] =	vst v9  }
0x31: {  	[tilespmem:s15+$0xFFFFFF80] =	vst v10;
	v9 =	vld [tilespmem:s19+$0xFFFFFF10]  }
0x32: {  	[tilespmem:s15+$0x0] =	vst v11;
	v10 =	vld [tilespmem:s19+$0xFFFFFF90];
	v8 =	vadd.f32 v8, v6  }
0x33: {  	v11 =	vld [tilespmem:s19+$0x10]  }
0x34: {  	[tilespmem:s15+$0x90] =	vst v8  }
0x35: {  	v8 =	vld [tilespmem:s19+$0xA0]  }
0x36: {  	v9 =	vadd.f32 v9, v6  }
0x37: {  	v10 =	vadd.f32 v10, v6  }
0x38: {  	v11 =	vadd.f32 v11, v6;
	[tilespmem:s15+$0xFFFFFF10] =	vst v9  }
0x39: {  	[tilespmem:s15+$0xFFFFFF90] =	vst v10;
	v9 =	vld [tilespmem:s19+$0xFFFFFF20]  }
0x3a: {  	[tilespmem:s15+$0x10] =	vst v11;
	v10 =	vld [tilespmem:s19+$0xFFFFFFA0];
	v8 =	vadd.f32 v8, v7  }
0x3b: {  	v11 =	vld [tilespmem:s19+$0x20]  }
0x3c: {  	[tilespmem:s15+$0xA0] =	vst v8  }
0x3d: {  	v8 =	vld [tilespmem:s19+$0xB0]  }
0x3e: {  	v9 =	vadd.f32 v9, v7  }
0x3f: {  	v10 =	vadd.f32 v10, v7  }
0x40: {  	v11 =	vadd.f32 v11, v7;
	[tilespmem:s15+$0xFFFFFF20] =	vst v9  }
0x41: {  	[tilespmem:s15+$0xFFFFFFA0] =	vst v10;
	v9 =	vld [tilespmem:s19+$0xFFFFFF30]  }
0x42: {  	[tilespmem:s15+$0x20] =	vst v11;
	v10 =	vld [tilespmem:s19+$0xFFFFFFB0];
	v8 =	vadd.f32 v8, v5  }
0x43: {  	s16 =	simm.s32 $0x300;
	v11 =	vld [tilespmem:s19+$0x30]  }
0x44: {  	[tilespmem:s15+$0xB0] =	vst v8;
	v8 =	vld [tilespmem:s16+$0x80]  }
0x45: {  	v12 =	vld [tilespmem:s19+$0xC0]  }
0x46: {  	v13 =	vld [tilespmem:s16+$0xFFFFFF80];
	v9 =	vadd.f32 v9, v5  }
0x47: {  	v14 =	vld [tilespmem:s16+$0x0];
	v10 =	vadd.f32 v10, v5  }
0x48: {  	v11 =	vadd.f32 v11, v5;
	[tilespmem:s15+$0xFFFFFF30] =	vst v9;
	v9 =	vld [tilespmem:s16+$0xFFFFFF00]  }
0x49: {  	[tilespmem:s15+$0xFFFFFFB0] =	vst v10;
	v10 =	vld [tilespmem:s19+$0xFFFFFF40];
	v8 =	vadd.f32 v8, v4  }
0x4a: {  	s17 =	sadd.s32 $0x200, s15;
	[tilespmem:s15+$0x30] =	vst v11;
	v11 =	vld [tilespmem:s19+$0xFFFFFFC0];
	v12 =	vadd.f32 v12, v3  }
0x4b: {  	v13 =	vadd.f32 v13, v4;
	[tilespmem:s17+$0x80] =	vst v8;
	v8 =	vld [tilespmem:s19+$0x40]  }
0x4c: {  	v14 =	vadd.f32 v14, v4;
	v15 =	vld [tilespmem:s16+$0x90];
	[tilespmem:s15+$0xC0] =	vst v12  }
0x4d: {  	[tilespmem:s17+$0xFFFFFF80] =	vst v13;
	v9 =	vadd.f32 v9, v4;
	v12 =	vld [tilespmem:s19+$0xD0]  }
0x4e: {  	[tilespmem:s17+$0x0] =	vst v14;
	v13 =	vld [tilespmem:s16+$0xFFFFFF90];
	v10 =	vadd.f32 v10, v3  }
0x4f: {  	v11 =	vadd.f32 v11, v3;
	[tilespmem:s17+$0xFFFFFF00] =	vst v9;
	v9 =	vld [tilespmem:s16+$0x10]  }
0x50: {  	v14 =	vld [tilespmem:s16+$0xFFFFFF10];
	[tilespmem:s15+$0xFFFFFF40] =	vst v10;
	v8 =	vadd.f32 v8, v3  }
0x51: {  	[tilespmem:s15+$0xFFFFFFC0] =	vst v11;
	v10 =	vadd.f32 v15, v6;
	v15 =	vld [tilespmem:s19+$0xFFFFFF50]  }
0x52: {  	v11 =	vld [tilespmem:s19+$0xFFFFFFD0];
	[tilespmem:s15+$0x40] =	vst v8;
	v8 =	vadd.f32 v12, v2  }
0x53: {  	v12 =	vadd.f32 v13, v6;
	[tilespmem:s17+$0x90] =	vst v10;
	v10 =	vld [tilespmem:s19+$0x50]  }
0x54: {  	v9 =	vadd.f32 v9, v6;
	v13 =	vld [tilespmem:s16+$0xA0];
	[tilespmem:s15+$0xD0] =	vst v8  }
0x55: {  	v8 =	vadd.f32 v14, v6;
	[tilespmem:s17+$0xFFFFFF90] =	vst v12;
	v12 =	vld [tilespmem:s19+$0xE0]  }
0x56: {  	[tilespmem:s17+$0x10] =	vst v9;
	v14 =	vld [tilespmem:s16+$0xFFFFFFA0];
	v9 =	vadd.f32 v15, v2  }
0x57: {  	v11 =	vadd.f32 v11, v2;
	[tilespmem:s17+$0xFFFFFF10] =	vst v8;
	v8 =	vld [tilespmem:s16+$0x20]  }
0x58: {  	v15 =	vld [tilespmem:s16+$0xFFFFFF20];
	[tilespmem:s15+$0xFFFFFF50] =	vst v9;
	v9 =	vadd.f32 v10, v2  }
0x59: {  	[tilespmem:s15+$0xFFFFFFD0] =	vst v11;
	v10 =	vadd.f32 v13, v7;
	v13 =	vld [tilespmem:s19+$0xFFFFFF60]  }
0x5a: {  	v11 =	vld [tilespmem:s19+$0xFFFFFFE0];
	[tilespmem:s15+$0x50] =	vst v9;
	v9 =	vadd.f32 v12, v1  }
0x5b: {  	v12 =	vadd.f32 v14, v7;
	[tilespmem:s17+$0xA0] =	vst v10;
	v10 =	vld [tilespmem:s19+$0x60]  }
0x5c: {  	v8 =	vadd.f32 v8, v7;
	v14 =	vld [tilespmem:s16+$0xB0];
	[tilespmem:s15+$0xE0] =	vst v9  }
0x5d: {  	v9 =	vadd.f32 v15, v7;
	[tilespmem:s17+$0xFFFFFFA0] =	vst v12;
	v15 =	vld [tilespmem:s19+$0xF0]  }
0x5e: {  	v16 =	vld [tilespmem:s16+$0xFFFFFFB0];
	[tilespmem:s17+$0x20] =	vst v8;
	v8 =	vadd.f32 v13, v1  }
0x5f: {  	v11 =	vadd.f32 v11, v1;
	[tilespmem:s17+$0xFFFFFF20] =	vst v9;
	v12 =	vld [tilespmem:s16+$0x30]  }
0x60: {  	s18 =	smul.u32 $0x1C000, s13;
	v13 =	vld [tilespmem:s16+$0xFFFFFF30];
	[tilespmem:s15+$0xFFFFFF60] =	vst v8;
	v10 =	vadd.f32 v10, v1  }
0x61: {  	[tilespmem:s15+$0xFFFFFFE0] =	vst v11;
	v17 =	vadd.f32 v14, v5;
	v9 =	vld [tilespmem:s19+$0xFFFFFF70]  }
0x62: {  	s18 =	sshrl.u32 s18, $0x2;
	v8 =	vld [tilespmem:s19+$0xFFFFFFF0];
	[tilespmem:s15+$0x60] =	vst v10;
	v11 =	vadd.f32 v15, v0  }
0x63: {  	s20 =	simm.s32 $0x4;
	s21 =	simm.s32 $0x500;
	s18 =	sadd.s32 $0xE000, s18;
	v14 =	vadd.f32 v16, v5;
	[tilespmem:s17+$0xB0] =	vst v17;
	v10 =	vld [tilespmem:s19+$0x70]  }
.LBB2_3:
0x64: {  	v15 =	vld [tilespmem:s21+$0x80];
	v12 =	vadd.f32 v12, v5;
	[tilespmem:s15+$0xF0] =	vst v11  }
0x65: {  	s20 =	sadd.s32 $0x4, s20;
	v11 =	vadd.f32 v13, v5;
	[tilespmem:s17+$0xFFFFFFB0] =	vst v14;
	v13 =	vld [tilespmem:s16+$0xC0]  }
0x66: {  	p1 =	slt.u32 s20, $0xDC;
	v14 =	vld [tilespmem:s21+$0xFFFFFF80];
	[tilespmem:s17+$0x30] =	vst v12;
	v9 =	vadd.f32 v9, v0  }
0x67: {  	v12 =	vld [tilespmem:s21+$0x0];
	[tilespmem:s17+$0xFFFFFF30] =	vst v11;
	v8 =	vadd.f32 v8, v0  }
0x68: {  	v11 =	vld [tilespmem:s21+$0xFFFFFF00];
	[tilespmem:s15+$0xFFFFFF70] =	vst v9;
	v9 =	vadd.f32 v10, v0  }
0x69: {  	v10 =	vadd.f32 v15, v4;
	v15 =	vld [tilespmem:s16+$0xFFFFFF40];
	[tilespmem:s15+$0xFFFFFFF0] =	vst v8  }
0x6a: {  	v8 =	vld [tilespmem:s16+$0xFFFFFFC0];
	v13 =	vadd.f32 v13, v3;
	[tilespmem:s15+$0x70] =	vst v9;
	s15 =	smov.u32 s17;
	s17 =	sadd.s32 $0x200, s17  }
0x6b: {  	v9 =	vadd.f32 v14, v4;
	[tilespmem:s17+$0x80] =	vst v10;
	v10 =	vld [tilespmem:s16+$0x40]  }
0x6c: {  	v12 =	vadd.f32 v12, v4;
	v14 =	vld [tilespmem:s21+$0x90];
	[tilespmem:s15+$0xC0] =	vst v13  }
0x6d: {  	v11 =	vadd.f32 v11, v4;
	[tilespmem:s17+$0xFFFFFF80] =	vst v9;
	v9 =	vld [tilespmem:s16+$0xD0]  }
0x6e: {  	v13 =	vld [tilespmem:s21+$0xFFFFFF90];
	[tilespmem:s17+$0x0] =	vst v12;
	v12 =	vadd.f32 v15, v3  }
0x6f: {  	[tilespmem:s17+$0xFFFFFF00] =	vst v11;
	v11 =	vld [tilespmem:s21+$0x10];
	v8 =	vadd.f32 v8, v3  }
0x70: {  	v15 =	vld [tilespmem:s21+$0xFFFFFF10];
	[tilespmem:s15+$0xFFFFFF40] =	vst v12;
	v10 =	vadd.f32 v10, v3  }
0x71: {  	v12 =	vadd.f32 v14, v6;
	v14 =	vld [tilespmem:s16+$0xFFFFFF50];
	[tilespmem:s15+$0xFFFFFFC0] =	vst v8  }
0x72: {  	v8 =	vld [tilespmem:s16+$0xFFFFFFD0];
	[tilespmem:s15+$0x40] =	vst v10;
	v9 =	vadd.f32 v9, v2  }
0x73: {  	v10 =	vadd.f32 v13, v6;
	[tilespmem:s17+$0x90] =	vst v12;
	v12 =	vld [tilespmem:s16+$0x50]  }
0x74: {  	v11 =	vadd.f32 v11, v6;
	v13 =	vld [tilespmem:s21+$0xA0];
	[tilespmem:s15+$0xD0] =	vst v9  }
0x75: {  	v9 =	vadd.f32 v15, v6;
	[tilespmem:s17+$0xFFFFFF90] =	vst v10;
	v10 =	vld [tilespmem:s16+$0xE0]  }
0x76: {  	v15 =	vld [tilespmem:s21+$0xFFFFFFA0];
	[tilespmem:s17+$0x10] =	vst v11;
	v11 =	vadd.f32 v14, v2  }
0x77: {  	[tilespmem:s17+$0xFFFFFF10] =	vst v9;
	v9 =	vld [tilespmem:s21+$0x20];
	v8 =	vadd.f32 v8, v2  }
0x78: {  	v14 =	vld [tilespmem:s21+$0xFFFFFF20];
	[tilespmem:s15+$0xFFFFFF50] =	vst v11;
	v11 =	vadd.f32 v12, v2  }
0x79: {  	v12 =	vadd.f32 v13, v7;
	v13 =	vld [tilespmem:s16+$0xFFFFFF60];
	[tilespmem:s15+$0xFFFFFFD0] =	vst v8  }
0x7a: {  	v8 =	vld [tilespmem:s16+$0xFFFFFFE0];
	[tilespmem:s15+$0x50] =	vst v11;
	v10 =	vadd.f32 v10, v1  }
0x7b: {  	v11 =	vadd.f32 v15, v7;
	[tilespmem:s17+$0xA0] =	vst v12;
	v15 =	vld [tilespmem:s16+$0x60]  }
0x7c: {  	v9 =	vadd.f32 v9, v7;
	v16 =	vld [tilespmem:s21+$0xB0];
	[tilespmem:s15+$0xE0] =	vst v10  }
0x7d: {  	v10 =	vadd.f32 v14, v7;
	[tilespmem:s17+$0xFFFFFFA0] =	vst v11;
	v11 =	vld [tilespmem:s16+$0xF0]  }
0x7e: {  	v14 =	vld [tilespmem:s21+$0xFFFFFFB0];
	[tilespmem:s17+$0x20] =	vst v9;
	v9 =	vadd.f32 v13, v1  }
.Ltmp0:
0x7f: {  	[tilespmem:s17+$0xFFFFFF20] =	vst v10;
	v12 =	vld [tilespmem:s21+$0x30];
	v8 =	vadd.f32 v8, v1;
	(pc) =	sbr.rel @p1 .LBB2_3-.Ltmp0, $4  }
0x80: {  	v13 =	vld [tilespmem:s21+$0xFFFFFF30];
	[tilespmem:s15+$0xFFFFFF60] =	vst v9;
	v10 =	vadd.f32 v15, v1  }
0x81: {  	v15 =	vadd.f32 v16, v5;
	v9 =	vld [tilespmem:s16+$0xFFFFFF70];
	[tilespmem:s15+$0xFFFFFFE0] =	vst v8  }
0x82: {  	v8 =	vld [tilespmem:s16+$0xFFFFFFF0];
	[tilespmem:s15+$0x60] =	vst v10;
	v11 =	vadd.f32 v11, v0  }
0x83: {  	v14 =	vadd.f32 v14, v5;
	[tilespmem:s17+$0xB0] =	vst v15;
	v10 =	vld [tilespmem:s16+$0x70];
	s16 =	smov.u32 s21;
	s21 =	sadd.s32 $0x200, s21  }
0x84: {  	v48 =	vadd.f32 v12, v5  }
0x85: {  	v6 =	vld [tilespmem:s16+$0xC0];
	v4 =	vadd.f32 v13, v5;
	[tilespmem:s17+$0xFFFFFFB0] =	vst v14  }
0x86: {  	[tilespmem:s17+$0x30] =	vst v48;
	v49 =	vld [tilespmem:s16+$0xFFFFFFC0]  }
0x87: {  	[tilespmem:s17+$0xFFFFFF30] =	vst v4;
	v7 =	vld [tilespmem:s16+$0x40]  }
0x88: {  	v4 =	vld [tilespmem:s16+$0xFFFFFF40];
	_ =	sdelay $0x1  }
0x89: {  	v6 =	vadd.f32 v6, v3  }
0x8a: {  	v5 =	vadd.f32 v49, v3  }
0x8b: {  	[tilespmem:s17+$0xC0] =	vst v6;
	v50 =	vadd.f32 v7, v3  }
0x8c: {  	v6 =	vld [tilespmem:s16+$0xD0];
	v4 =	vadd.f32 v4, v3;
	[tilespmem:s17+$0xFFFFFFC0] =	vst v5  }
0x8d: {  	v5 =	vld [tilespmem:s16+$0xFFFFFFD0];
	[tilespmem:s17+$0x40] =	vst v50  }
0x8e: {  	[tilespmem:s17+$0xFFFFFF40] =	vst v4;
	v3 =	vld [tilespmem:s16+$0x50]  }
0x8f: {  	v4 =	vld [tilespmem:s16+$0xFFFFFF50];
	_ =	sdelay $0x1  }
0x90: {  	v6 =	vadd.f32 v6, v2  }
0x91: {  	v5 =	vadd.f32 v5, v2  }
0x92: {  	[tilespmem:s17+$0xD0] =	vst v6;
	v51 =	vadd.f32 v3, v2  }
0x93: {  	v6 =	vld [tilespmem:s16+$0xE0];
	v4 =	vadd.f32 v4, v2;
	[tilespmem:s17+$0xFFFFFFD0] =	vst v5  }
0x94: {  	v53 =	vld [tilespmem:s16+$0xFFFFFFE0];
	[tilespmem:s17+$0x50] =	vst v51  }
0x95: {  	[tilespmem:s17+$0xFFFFFF50] =	vst v4;
	v2 =	vld [tilespmem:s16+$0x60]  }
0x96: {  	v52 =	vld [tilespmem:s16+$0xFFFFFF60];
	_ =	sdelay $0x1  }
0x97: {  	v54 =	vadd.f32 v6, v1  }
0x98: {  	v4 =	vadd.f32 v53, v1  }
0x99: {  	[tilespmem:s17+$0xE0] =	vst v54;
	v55 =	vadd.f32 v2, v1  }
0x9a: {  	v5 =	vld [tilespmem:s16+$0xF0];
	v3 =	vadd.f32 v52, v1;
	[tilespmem:s17+$0xFFFFFFE0] =	vst v4  }
0x9b: {  	v4 =	vld [tilespmem:s16+$0xFFFFFFF0];
	[tilespmem:s17+$0x60] =	vst v55  }
0x9c: {  	v57 =	vadd.f32 v9, v0;
	[tilespmem:s17+$0xFFFFFF60] =	vst v3;
	v59 =	vld [tilespmem:s16+$0x70]  }
0x9d: {  	[tilespmem:s15+$0xF0] =	vst v11;
	v58 =	vadd.f32 v8, v0;
	v56 =	vld [tilespmem:s16+$0xFFFFFF70]  }
0x9e: {  	[tilespmem:s15+$0xFFFFFF70] =	vst v57;
	v60 =	vadd.f32 v10, v0  }
0x9f: {  	[tilespmem:s15+$0xFFFFFFF0] =	vst v58;
	v61 =	vadd.f32 v5, v0  }
0xa0: {  	[tilespmem:s15+$0x70] =	vst v60;
	v62 =	vadd.f32 v4, v0  }
0xa1: {  	s14 =	smul.u32 $0x7000, s14;
	[tilespmem:s17+$0xF0] =	vst v61;
	v63 =	vadd.f32 v59, v0  }
0xa2: {  	v2 =	vadd.f32 v56, v0;
	[tilespmem:s17+$0xFFFFFFF0] =	vst v62  }
0xa3: {  	s14 =	sshrl.u32 s14, $0x3;
	[tilespmem:s17+$0x70] =	vst v63  }
0xa4: {  	s13 =	sadd.s32 $0x1, s13;
	s12 =	sadd.s32 $0x1, s12;
	s14 =	sadd.s32 s3, s14;
	[tilespmem:s17+$0xFFFFFF70] =	vst v2  }
0xa5: {  	[hbm4b:s14+s5] =	stream.linear.scatter [tilespmem:s18], [sflag:s13], $0x7000, $0x38;
	[tilespmem:$0x1C000] =	vst v63  }
0xa6: {  	p1 =	sne.s32 s12, $0x7;
	s30 =	sadd.s32 $0xC4000, s14  }
0xa7: {  	[hbm4b:s30+s5] =	stream.linear.scatter [tilespmem:s18], [sflag:s13], $0x7000, $0x38;
	[tilespmem:$0x1C000] =	vst v63  }
.Ltmp1:
0xa8: {  	_ = 	snop;
	(pc) =	sbr.rel @p1 .LBB2_2-.Ltmp1, $4  }
0xa9: {  	s31 =	sadd.s32 $0x188000, s14  }
0xaa: {  	[hbm4b:s31+s5] =	stream.linear.scatter [tilespmem:s18], [sflag:s13], $0x7000, $0x38;
	[tilespmem:$0x1C000] =	vst v63  }
0xab: {  	p0 =	por !p0, !p0;
	s14 =	sadd.s32 $0x24C000, s14  }
0xac: {  	[hbm4b:s14+s5] =	stream.linear.scatter [tilespmem:s18], [sflag:s13], $0x7000, $0x38;
	[tilespmem:$0x1C000] =	vst v63  }
0xad: {  	_ =	swait.ge [sflag:s10], $0x7000  }
0xae: {  	[sflag:s10] =	ssyncset.done $0x0  }
0xaf: {  	[sflag:s10] =	ssyncadd.s32 $0xFFFF9000  }
0xb0: {  	_ =	swait.ge [sflag:s10], $0x7000  }
0xb1: {  	[sflag:s10] =	ssyncset.done $0x0  }
0xb2: {  	[sflag:s10] =	ssyncadd.s32 $0xFFFF9000  }
0xb3: {  	_ =	swait.ge [sflag:s10], $0x7000  }
0xb4: {  	[sflag:s10] =	ssyncset.done $0x0  }
0xb5: {  	[sflag:s10] =	ssyncadd.s32 $0xFFFF9000  }
0xb6: {  	_ =	swait.ge [sflag:s10], $0x7000  }
0xb7: {  	[sflag:s10] =	ssyncset.done $0x0  }
0xb8: {  	[sflag:s10] =	ssyncadd.s32 $0xFFFF9000  }
0xb9: {  	_ =	swait.ge [sflag:s9], $0x7000  }
0xba: {  	[sflag:s9] =	ssyncset.done $0x0  }
0xbb: {  	[sflag:s9] =	ssyncadd.s32 $0xFFFF9000  }
0xbc: {  	_ =	swait.ge [sflag:s9], $0x7000  }
0xbd: {  	[sflag:s9] =	ssyncset.done $0x0  }
0xbe: {  	s11 =	sadd.s32 $0x1, s11;
	[sflag:s9] =	ssyncadd.s32 $0xFFFF9000  }
0xbf: {  	p0 =	sne.s32 s11, s7;
	_ =	swait.ge [sflag:s9], $0x7000  }
.Ltmp2:
0xc0: {  	[sflag:s9] =	ssyncset.done $0x0;
	(pc) =	sbr.rel @p0 .LBB2_1-.Ltmp2, $4  }
0xc1: {  	[sflag:s9] =	ssyncadd.s32 $0xFFFF9000  }
0xc2: {  	_ =	swait.ge [sflag:s9], $0x7000  }
0xc3: {  	[sflag:s9] =	ssyncset.done $0x0  }
0xc4: {  	[sflag:s9] =	ssyncadd.s32 $0xFFFF9000  }
0xc5: {  	_ =	sfence.sel $0x180000  }
0xc6: {  	[bflag:$0x0] =	sbarrier.arrive $0xFFFF  }
0xc7: {  	p0 =	sne.s32 s4, $0x0;
	_ =	strace $0x90000047  }
0xc8: {  	s0 =	sadd.s32 @!p0 $0x100000, s0;
	[bflag:$0x2] =	sbarrier.arrive $0xFFFF  }
0xc9: {  	[sflag:s0] =	ssyncadd.tile.s32 @!p0 $0x1;
	_ =	shalt  }
.Lfunc_end2:
_tile_overlayer_lowered:
.L_overlay_start_2:
0xca: {  	(tag) =	ssettag $0x2  }
0xcb: {  	s0 =	rddreg [dreg:$0x0];
	s2 =	stileid.u32  }
0xcc: {  	s1 =	rddreg [dreg:$0x1];
	p0 =	sne.s32 s2, $0x0  }
0xcd: {  	s3 =	rddreg [dreg:$0x2];
	[bflag:$0x3] =	sbarrier.arrive $0xFFFF;
	s2 =	simm.s32 @!p0 $0x1C03  }
0xce: {  	[timem:s3], [sflag:s2] =	dma.local @!p0 [hbm:s0], s1  }
0xcf: {  	s0 =	simm.s32 @!p0 $0x3  }
0xd0: {  	_ =	swait.ge @!p0 [sflag:s0], s1  }
0xd1: {  	s1 =	ssub.s32 @!p0 $0x0, s1;
	[sflag:s0] =	ssyncset.done @!p0 $0x0  }
0xd2: {  	[sflag:s0] =	ssyncadd.s32 @!p0 s1  }
0xd3: {  	[bflag:$0x3] =	sbarrier.arrive $0xFFFF  }
0xd4: {  	_ =	shalt  }

</sc_bundles>
